<compile_context>
chip_gen: v7x
topology: tpu7x:2x2x1
jax: 0.10.2.dev20260603
libtpu: 0.0.44.dev20260713+nightly
codegen_flags: <defaults>
</compile_context>

<pallas_src>
import functools

import jax
import jax.numpy as jnp
from jax import lax
from jax.experimental import pallas as pl
from jax.experimental.pallas import tpu as pltpu
from jax.experimental.pallas import tpu_sc as plsc

KS = 15
UNITS = 256
HID = 256
B, L = 20, 198
LP = 256
TOPK = 100
NEG_INF = float("-inf")
MIN32 = -(2 ** 31)


SB = 5


def _scores_body(q_ref, pa_ref, values_ref, W1_ref, W1b_ref, W2_ref, W2b_ref,
                 Vw_ref, Vb_ref, Wc_ref, proj_ref, out_ref):
    pad = jnp.full((1, LP - L), NEG_INF, jnp.float32)
    for b in range(SB):
        v = values_ref[b]
        mm = lax.dot_general(v, W1_ref[...], (((1,), (1,)), ((), ())),
                             preferred_element_type=jnp.float32)
        q = q_ref[b]
        qt = lax.dot_general(q, W2_ref[...], (((1,), (1,)), ((), ())),
                             preferred_element_type=jnp.float32) + W2b_ref[...]
        pa = pa_ref[b]
        convo = lax.dot_general(Wc_ref[...], pa, (((1,), (0,)), ((), ())),
                                preferred_element_type=jnp.float32)
        loc = convo * proj_ref[...]
        s1 = mm + W1b_ref[...] + qt + loc
        th = jnp.tanh(s1)
        row = lax.dot_general(Vw_ref[...], th, (((1,), (1,)), ((), ())),
                              preferred_element_type=jnp.float32) + Vb_ref[...]
        out_ref[b] = jnp.concatenate([row, pad], axis=1)


def _scores_call(q2, pa3, values, W1_w, W1b, W2_w, W2b, Vw, Vb, Wc, projr):
    full = lambda *shape: (pl.BlockSpec(shape, lambda i: (0,) * len(shape)))
    return pl.pallas_call(
        _scores_body,
        grid=(B // SB,),
        in_specs=[
            pl.BlockSpec((SB, 1, HID), lambda i: (i, 0, 0)),
            pl.BlockSpec((SB, L, 1), lambda i: (i, 0, 0)),
            pl.BlockSpec((SB, L, HID), lambda i: (i, 0, 0)),
            full(UNITS, HID),
            full(1, UNITS),
            full(UNITS, HID),
            full(1, UNITS),
            full(1, UNITS),
            full(1, 1),
            full(L, L),
            full(1, UNITS),
        ],
        out_specs=pl.BlockSpec((SB, 1, LP), lambda i: (i, 0, 0)),
        out_shape=jax.ShapeDtypeStruct((B, 1, LP), jnp.float32),
    )(q2, pa3, values, W1_w, W1b, W2_w, W2b, Vw, Vb, Wc, projr)


NVR = LP // 16


def _topk_sc_body(scores_hbm, masked_hbm, row_v, keys_v, msk_v):
    c = lax.axis_index("c")
    s = lax.axis_index("s")
    wid = s * 2 + c

    @pl.when(wid < B)
    def _():
        pltpu.sync_copy(scores_hbm.at[wid], row_v)

        for i in range(NVR):
            x = row_v[pl.ds(i * 16, 16)]
            bits = lax.bitcast_convert_type(x, jnp.int32)
            skey = jnp.where(bits < 0, bits ^ jnp.int32(0x7FFFFFFF), bits)
            keys_v[pl.ds(i * 16, 16)] = skey

        minv = jnp.full((16,), MIN32, jnp.int32)
        zero = jnp.zeros((16,), jnp.int32)

        def bit_step(t, carry):
            prefix, kk, maskhi = carry
            bitv = jnp.left_shift(jnp.full((16,), 1, jnp.int32),
                                  jnp.broadcast_to(jnp.int32(31) - t, (16,)))
            want = (prefix | bitv)
            sel = (maskhi | bitv)
            c1 = zero
            for i in range(NVR):
                u = keys_v[pl.ds(i * 16, 16)] ^ minv
                hit = (u & sel) == want
                c1 = c1 + plsc.all_reduce_population_count(hit)
            take = c1 >= kk
            prefix = jnp.where(take, want, prefix)
            kk = jnp.where(take, kk, kk - c1)
            return prefix, kk, sel

        prefix, kfin, _ = lax.fori_loop(
            0, 32, bit_step,
            (zero, jnp.full((16,), TOPK, jnp.int32), zero))
        sprefix = prefix ^ minv

        running = zero
        for i in range(NVR):
            sk = keys_v[pl.ds(i * 16, 16)]
            x = row_v[pl.ds(i * 16, 16)]
            gt = sk > sprefix
            eq = sk == sprefix
            pos = jnp.cumsum(eq.astype(jnp.int32))
            keep = gt | (eq & ((running + pos) <= kfin))
            m = jnp.where(keep, x, jnp.float32(0.0))
            msk_v[pl.ds(i * 16, 16)] = m
            running = running + plsc.all_reduce_population_count(eq)

        pltpu.sync_copy(msk_v, masked_hbm.at[wid])


@functools.cache
def _topk_sc_kernel():
    return pl.kernel(
        _topk_sc_body,
        mesh=plsc.VectorSubcoreMesh(core_axis_name="c", subcore_axis_name="s"),
        compiler_params=pltpu.CompilerParams(needs_layout_passes=False),
        out_type=jax.ShapeDtypeStruct((B, LP), jnp.float32),
        scratch_types=[pltpu.VMEM((LP,), jnp.float32),
                       pltpu.VMEM((LP,), jnp.int32),
                       pltpu.VMEM((LP,), jnp.float32)],
    )


def _topk_sc(scores):
    return _topk_sc_kernel()(scores)


def _finish_body(masked_ref, values_ref, ctx_ref, att_ref, m198_ref):
    lane = lax.broadcasted_iota(jnp.int32, (B, LP), 1)
    valid = lane < L
    masked = masked_ref[...]
    sig = jnp.where(valid, 1.0 / (1.0 + jnp.exp(-masked)), 0.0)
    sum0 = jnp.sum(sig, axis=0, keepdims=True)
    att = sig / jnp.where(sum0 == 0.0, 1.0, sum0)
    att_ref[...] = lax.slice(att, (0, 0), (B, L))
    m198_ref[...] = lax.slice(masked, (0, 0), (B, L))
    for b in range(B):
        arow = lax.slice(att, (b, 0), (b + 1, L))
        vb = values_ref[b]
        ctx_ref[pl.ds(b, 1), :] = lax.dot_general(
            arow, vb, (((1,), (0,)), ((), ())),
            preferred_element_type=jnp.float32, precision=lax.Precision.HIGHEST)


def _finish_call(masked, values):
    return pl.pallas_call(
        _finish_body,
        out_shape=[jax.ShapeDtypeStruct((B, HID), jnp.float32),
                   jax.ShapeDtypeStruct((B, L), jnp.float32),
                   jax.ShapeDtypeStruct((B, L), jnp.float32)],
    )(masked, values)


def kernel(query, values, W1_w, W1_b, W2_w, W2_b, V_w, V_b, conv_w, proj_w, prev_att):
    q3 = query.reshape(B, 1, HID)
    Wc = conv_w[:, :, KS]
    scores = _scores_call(
        q3, prev_att, values, W1_w, W1_b.reshape(1, UNITS), W2_w,
        W2_b.reshape(1, UNITS), V_w, V_b.reshape(1, 1), Wc,
        proj_w.reshape(1, HID)).reshape(B, LP)
    masked = _topk_sc(scores)
    ctx, att198, m198 = _finish_call(masked, values)
    return (ctx, att198[:, :, None], m198[:, :, None])

# --- scband reference (transcript-rebuilt; emitter-appended) ---
"""Pipeline reference for scband-bahdanau-attention-audio-16612933501325 (READ-ONLY COPY).

The authoritative reference and input builder live on the scoring server;
editing this copy changes nothing except your own understanding.
"""

import jax, jax.numpy as jnp
import numpy as np

KS = 15
UNITS = 256
HID = 256
B, L = 20, 198

def _gl(k, shape, fan_in):
    lim = 1.0 / np.sqrt(fan_in)
    return jax.random.uniform(k, shape, jnp.float32, -lim, lim)

def setup_inputs(seed: int = 0) -> dict:
    key = jax.random.key(seed)
    ks = jax.random.split(key, 10)
    return {
        "query": jax.random.normal(ks[0], (1, B, HID), jnp.float32),
        "values": jax.random.normal(ks[1], (B, L, HID), jnp.float32),
        "W1_w": _gl(ks[2], (UNITS, HID), HID),
        "W1_b": _gl(ks[3], (UNITS,), HID),
        "W2_w": _gl(ks[4], (UNITS, HID), HID),
        "W2_b": _gl(ks[5], (UNITS,), HID),
        "V_w": _gl(ks[6], (1, UNITS), UNITS),
        "V_b": _gl(ks[7], (1,), UNITS),
        "conv_w": _gl(ks[8], (L, L, 2 * KS + 1), L * (2 * KS + 1)),
        "proj_w": _gl(ks[9], (HID, 1), 1),
        "prev_att": jnp.zeros((B, L, 1), jnp.float32),
    }

def reference(query, values, W1_w, W1_b, W2_w, W2_b, V_w, V_b, conv_w, proj_w, prev_att):
    q = jnp.squeeze(query, 0)                      # [B, HID]
    h = q[:, None, :]                              # [B, 1, HID]
    convo = jax.lax.conv_general_dilated(
        prev_att, conv_w, window_strides=(1,), padding=[(KS, KS)],
        dimension_numbers=("NCH", "OIH", "NCH"))   # [B, L, 1]
    loc_context = convo @ proj_w.T                 # [B, L, HID]
    sum_1 = values @ W1_w.T + W1_b + h @ W2_w.T + W2_b + loc_context
    score = jnp.tanh(sum_1) @ V_w.T + V_b          # [B, L, 1]
    s2 = jnp.squeeze(score, 2)                     # [B, L]
    top_val, top_pos = jax.lax.top_k(s2, 100)      # [B, 100]
    scattered = s2.at[jnp.arange(B)[:, None], top_pos].set(0.0)
    masked = -1.0 * (scattered - s2)               # keeps top-100 scores, zeros elsewhere
    score3 = masked[:, :, None]                    # [B, L, 1]
    sig = jax.nn.sigmoid(score3)
    attention_weights = sig / sig.sum(0)           # smoothing normalizes over dim 0 (faithful)
    context_vector = (attention_weights * values).sum(1)  # [B, HID]
    return (context_vector, attention_weights, score3)

if __name__ == "__main__":
    import jax
    _d = setup_inputs()
    print(jax.jit(kernel)(*tuple(_d.values())))

</pallas_src>

<mosaic_0001>
#map = affine_map<(d0, d1) -> (0, 0)>
module attributes {stable_mosaic.version = 14 : i64} {
  func.func @_topk_sc_body(%arg0: i32, %arg1: i32, %arg2: memref<20x256xf32, #tpu.memory_space<hbm>>, %arg3: memref<20x256xf32, #tpu.memory_space<hbm>>, %arg4: memref<256xf32, #tpu.memory_space<vmem>>, %arg5: memref<256xi32, #tpu.memory_space<vmem>>, %arg6: memref<256xf32, #tpu.memory_space<vmem>>) attributes {dimension_semantics = [#tpu.dimension_semantics<core_parallel>, #tpu.dimension_semantics<subcore_parallel>], iteration_bounds = array<i64: 2, 16>, scalar_prefetch = 0 : i64, scratch_operands = 3 : i64, tpu.core_type = #tpu.core_type<sc_vector_subcore>, window_params = [{transform_indices = #map}, {transform_indices = #map}]} {
    %mul3A = arith.constant 2 : i32
    %mul3A_0 = arith.muli %arg1, %mul3A : i32
    %add3A = arith.addi %mul3A_0, %arg0 : i32
    %lt3A = arith.constant 20 : i32
    %lt3A_1 = arith.cmpi slt, %add3A, %lt3A : i32
    %convert_element_type3A = arith.extui %lt3A_1 : i1 to i32
    %cond3A = arith.constant 0 : i32
    %cond3A_2 = arith.cmpi ne, %convert_element_type3A, %cond3A : i32
    scf.if %cond3A_2 {
      "tpu.region"() ({
        %run_scoped3A = tpu.sem_alloc : memref<!tpu.dma_semaphore, #tpu.memory_space<semaphore_mem>>
        %dma_start3A = arith.constant 0 : i32
        %dma_start3A_529 = tpu.memref_slice %arg2[%add3A, %dma_start3A] : memref<20x256xf32, #tpu.memory_space<hbm>> -> memref<1x256xf32, #tpu.memory_space<hbm>>
        %dma_start3A_530 = tpu.memref_squeeze %dma_start3A_529 : memref<1x256xf32, #tpu.memory_space<hbm>> -> memref<256xf32, #tpu.memory_space<hbm>>
        %dma_start3A_531 = arith.constant 0 : i32
        %dma_start3A_532 = tpu.memref_slice %arg2[%add3A, %dma_start3A_531] : memref<20x256xf32, #tpu.memory_space<hbm>> -> memref<1x256xf32, #tpu.memory_space<hbm>>
        %dma_start3A_533 = tpu.memref_squeeze %dma_start3A_532 : memref<1x256xf32, #tpu.memory_space<hbm>> -> memref<256xf32, #tpu.memory_space<hbm>>
        tpu.enqueue_dma source(%dma_start3A_533 : memref<256xf32, #tpu.memory_space<hbm>>) target(%arg4 : memref<256xf32, #tpu.memory_space<vmem>>) target_semaphore(%run_scoped3A : memref<!tpu.dma_semaphore, #tpu.memory_space<semaphore_mem>>)
        %dma_wait3A = arith.constant 0 : i32
        %dma_wait3A_534 = tpu.memref_slice %arg2[%add3A, %dma_wait3A] : memref<20x256xf32, #tpu.memory_space<hbm>> -> memref<1x256xf32, #tpu.memory_space<hbm>>
        %dma_wait3A_535 = tpu.memref_squeeze %dma_wait3A_534 : memref<1x256xf32, #tpu.memory_space<hbm>> -> memref<256xf32, #tpu.memory_space<hbm>>
        %dma_wait3A_536 = arith.constant 0 : i32
        %dma_wait3A_537 = tpu.memref_slice %arg2[%add3A, %dma_wait3A_536] : memref<20x256xf32, #tpu.memory_space<hbm>> -> memref<1x256xf32, #tpu.memory_space<hbm>>
        %dma_wait3A_538 = tpu.memref_squeeze %dma_wait3A_537 : memref<1x256xf32, #tpu.memory_space<hbm>> -> memref<256xf32, #tpu.memory_space<hbm>>
        tpu.wait_dma2 semaphore(%run_scoped3A : memref<!tpu.dma_semaphore, #tpu.memory_space<semaphore_mem>>) src(%dma_wait3A_538 : memref<256xf32, #tpu.memory_space<hbm>>) dst(%arg4 : memref<256xf32, #tpu.memory_space<vmem>>)
        tpu.yield
      }) : () -> ()
      %get3A = arith.constant 0 : index
      %get3A_3 = tpu.vector_load %arg4[%get3A] {strides = array<i32>} : memref<256xf32, #tpu.memory_space<vmem>>, vector<16xf32>,
      %bitcast_convert_type3A = tpu.bitcast %get3A_3 : vector<16xf32> -> vector<16xi32>
      %lt3A_4 = arith.constant 0 : i32
      %lt3A_5 = vector.broadcast %lt3A_4 : i32 to vector<16xi32>
      %lt3A_6 = arith.cmpi slt, %bitcast_convert_type3A, %lt3A_5 : vector<16xi32>
      %xor3A = arith.constant 2147483647 : i32
      %xor3A_7 = vector.broadcast %xor3A : i32 to vector<16xi32>
      %xor3A_8 = arith.xori %bitcast_convert_type3A, %xor3A_7 : vector<16xi32>
      %select_n3A = arith.select %lt3A_6, %xor3A_8, %bitcast_convert_type3A : vector<16xi1>, vector<16xi32>
      %swap3A = arith.constant 0 : index
      %swap3A_9 = tpu.vector_load %arg5[%swap3A] {strides = array<i32>} : memref<256xi32, #tpu.memory_space<vmem>>, vector<16xi32>,
      tpu.vector_store %arg5[%swap3A], %select_n3A {strides = array<i32>} : memref<256xi32, #tpu.memory_space<vmem>>, vector<16xi32>,
      %get3A_10 = arith.constant 16 : index
      %get3A_11 = tpu.vector_load %arg4[%get3A_10] {strides = array<i32>} : memref<256xf32, #tpu.memory_space<vmem>>, vector<16xf32>,
      %bitcast_convert_type3A_12 = tpu.bitcast %get3A_11 : vector<16xf32> -> vector<16xi32>
      %lt3A_13 = arith.constant 0 : i32
      %lt3A_14 = vector.broadcast %lt3A_13 : i32 to vector<16xi32>
      %lt3A_15 = arith.cmpi slt, %bitcast_convert_type3A_12, %lt3A_14 : vector<16xi32>
      %xor3A_16 = arith.constant 2147483647 : i32
      %xor3A_17 = vector.broadcast %xor3A_16 : i32 to vector<16xi32>
      %xor3A_18 = arith.xori %bitcast_convert_type3A_12, %xor3A_17 : vector<16xi32>
      %select_n3A_19 = arith.select %lt3A_15, %xor3A_18, %bitcast_convert_type3A_12 : vector<16xi1>, vector<16xi32>
      %swap3A_20 = arith.constant 16 : index
      %swap3A_21 = tpu.vector_load %arg5[%swap3A_20] {strides = array<i32>} : memref<256xi32, #tpu.memory_space<vmem>>, vector<16xi32>,
      tpu.vector_store %arg5[%swap3A_20], %select_n3A_19 {strides = array<i32>} : memref<256xi32, #tpu.memory_space<vmem>>, vector<16xi32>,
      %get3A_22 = arith.constant 32 : index
      %get3A_23 = tpu.vector_load %arg4[%get3A_22] {strides = array<i32>} : memref<256xf32, #tpu.memory_space<vmem>>, vector<16xf32>,
      %bitcast_convert_type3A_24 = tpu.bitcast %get3A_23 : vector<16xf32> -> vector<16xi32>
      %lt3A_25 = arith.constant 0 : i32
      %lt3A_26 = vector.broadcast %lt3A_25 : i32 to vector<16xi32>
      %lt3A_27 = arith.cmpi slt, %bitcast_convert_type3A_24, %lt3A_26 : vector<16xi32>
      %xor3A_28 = arith.constant 2147483647 : i32
      %xor3A_29 = vector.broadcast %xor3A_28 : i32 to vector<16xi32>
      %xor3A_30 = arith.xori %bitcast_convert_type3A_24, %xor3A_29 : vector<16xi32>
      %select_n3A_31 = arith.select %lt3A_27, %xor3A_30, %bitcast_convert_type3A_24 : vector<16xi1>, vector<16xi32>
      %swap3A_32 = arith.constant 32 : index
      %swap3A_33 = tpu.vector_load %arg5[%swap3A_32] {strides = array<i32>} : memref<256xi32, #tpu.memory_space<vmem>>, vector<16xi32>,
      tpu.vector_store %arg5[%swap3A_32], %select_n3A_31 {strides = array<i32>} : memref<256xi32, #tpu.memory_space<vmem>>, vector<16xi32>,
      %get3A_34 = arith.constant 48 : index
      %get3A_35 = tpu.vector_load %arg4[%get3A_34] {strides = array<i32>} : memref<256xf32, #tpu.memory_space<vmem>>, vector<16xf32>,
      %bitcast_convert_type3A_36 = tpu.bitcast %get3A_35 : vector<16xf32> -> vector<16xi32>
      %lt3A_37 = arith.constant 0 : i32
      %lt3A_38 = vector.broadcast %lt3A_37 : i32 to vector<16xi32>
      %lt3A_39 = arith.cmpi slt, %bitcast_convert_type3A_36, %lt3A_38 : vector<16xi32>
      %xor3A_40 = arith.constant 2147483647 : i32
      %xor3A_41 = vector.broadcast %xor3A_40 : i32 to vector<16xi32>
      %xor3A_42 = arith.xori %bitcast_convert_type3A_36, %xor3A_41 : vector<16xi32>
      %select_n3A_43 = arith.select %lt3A_39, %xor3A_42, %bitcast_convert_type3A_36 : vector<16xi1>, vector<16xi32>
      %swap3A_44 = arith.constant 48 : index
      %swap3A_45 = tpu.vector_load %arg5[%swap3A_44] {strides = array<i32>} : memref<256xi32, #tpu.memory_space<vmem>>, vector<16xi32>,
      tpu.vector_store %arg5[%swap3A_44], %select_n3A_43 {strides = array<i32>} : memref<256xi32, #tpu.memory_space<vmem>>, vector<16xi32>,
      %get3A_46 = arith.constant 64 : index
      %get3A_47 = tpu.vector_load %arg4[%get3A_46] {strides = array<i32>} : memref<256xf32, #tpu.memory_space<vmem>>, vector<16xf32>,
      %bitcast_convert_type3A_48 = tpu.bitcast %get3A_47 : vector<16xf32> -> vector<16xi32>
      %lt3A_49 = arith.constant 0 : i32
      %lt3A_50 = vector.broadcast %lt3A_49 : i32 to vector<16xi32>
      %lt3A_51 = arith.cmpi slt, %bitcast_convert_type3A_48, %lt3A_50 : vector<16xi32>
      %xor3A_52 = arith.constant 2147483647 : i32
      %xor3A_53 = vector.broadcast %xor3A_52 : i32 to vector<16xi32>
      %xor3A_54 = arith.xori %bitcast_convert_type3A_48, %xor3A_53 : vector<16xi32>
      %select_n3A_55 = arith.select %lt3A_51, %xor3A_54, %bitcast_convert_type3A_48 : vector<16xi1>, vector<16xi32>
      %swap3A_56 = arith.constant 64 : index
      %swap3A_57 = tpu.vector_load %arg5[%swap3A_56] {strides = array<i32>} : memref<256xi32, #tpu.memory_space<vmem>>, vector<16xi32>,
      tpu.vector_store %arg5[%swap3A_56], %select_n3A_55 {strides = array<i32>} : memref<256xi32, #tpu.memory_space<vmem>>, vector<16xi32>,
      %get3A_58 = arith.constant 80 : index
      %get3A_59 = tpu.vector_load %arg4[%get3A_58] {strides = array<i32>} : memref<256xf32, #tpu.memory_space<vmem>>, vector<16xf32>,
      %bitcast_convert_type3A_60 = tpu.bitcast %get3A_59 : vector<16xf32> -> vector<16xi32>
      %lt3A_61 = arith.constant 0 : i32
      %lt3A_62 = vector.broadcast %lt3A_61 : i32 to vector<16xi32>
      %lt3A_63 = arith.cmpi slt, %bitcast_convert_type3A_60, %lt3A_62 : vector<16xi32>
      %xor3A_64 = arith.constant 2147483647 : i32
      %xor3A_65 = vector.broadcast %xor3A_64 : i32 to vector<16xi32>
      %xor3A_66 = arith.xori %bitcast_convert_type3A_60, %xor3A_65 : vector<16xi32>
      %select_n3A_67 = arith.select %lt3A_63, %xor3A_66, %bitcast_convert_type3A_60 : vector<16xi1>, vector<16xi32>
      %swap3A_68 = arith.constant 80 : index
      %swap3A_69 = tpu.vector_load %arg5[%swap3A_68] {strides = array<i32>} : memref<256xi32, #tpu.memory_space<vmem>>, vector<16xi32>,
      tpu.vector_store %arg5[%swap3A_68], %select_n3A_67 {strides = array<i32>} : memref<256xi32, #tpu.memory_space<vmem>>, vector<16xi32>,
      %get3A_70 = arith.constant 96 : index
      %get3A_71 = tpu.vector_load %arg4[%get3A_70] {strides = array<i32>} : memref<256xf32, #tpu.memory_space<vmem>>, vector<16xf32>,
      %bitcast_convert_type3A_72 = tpu.bitcast %get3A_71 : vector<16xf32> -> vector<16xi32>
      %lt3A_73 = arith.constant 0 : i32
      %lt3A_74 = vector.broadcast %lt3A_73 : i32 to vector<16xi32>
      %lt3A_75 = arith.cmpi slt, %bitcast_convert_type3A_72, %lt3A_74 : vector<16xi32>
      %xor3A_76 = arith.constant 2147483647 : i32
      %xor3A_77 = vector.broadcast %xor3A_76 : i32 to vector<16xi32>
      %xor3A_78 = arith.xori %bitcast_convert_type3A_72, %xor3A_77 : vector<16xi32>
      %select_n3A_79 = arith.select %lt3A_75, %xor3A_78, %bitcast_convert_type3A_72 : vector<16xi1>, vector<16xi32>
      %swap3A_80 = arith.constant 96 : index
      %swap3A_81 = tpu.vector_load %arg5[%swap3A_80] {strides = array<i32>} : memref<256xi32, #tpu.memory_space<vmem>>, vector<16xi32>,
      tpu.vector_store %arg5[%swap3A_80], %select_n3A_79 {strides = array<i32>} : memref<256xi32, #tpu.memory_space<vmem>>, vector<16xi32>,
      %get3A_82 = arith.constant 112 : index
      %get3A_83 = tpu.vector_load %arg4[%get3A_82] {strides = array<i32>} : memref<256xf32, #tpu.memory_space<vmem>>, vector<16xf32>,
      %bitcast_convert_type3A_84 = tpu.bitcast %get3A_83 : vector<16xf32> -> vector<16xi32>
      %lt3A_85 = arith.constant 0 : i32
      %lt3A_86 = vector.broadcast %lt3A_85 : i32 to vector<16xi32>
      %lt3A_87 = arith.cmpi slt, %bitcast_convert_type3A_84, %lt3A_86 : vector<16xi32>
      %xor3A_88 = arith.constant 2147483647 : i32
      %xor3A_89 = vector.broadcast %xor3A_88 : i32 to vector<16xi32>
      %xor3A_90 = arith.xori %bitcast_convert_type3A_84, %xor3A_89 : vector<16xi32>
      %select_n3A_91 = arith.select %lt3A_87, %xor3A_90, %bitcast_convert_type3A_84 : vector<16xi1>, vector<16xi32>
      %swap3A_92 = arith.constant 112 : index
      %swap3A_93 = tpu.vector_load %arg5[%swap3A_92] {strides = array<i32>} : memref<256xi32, #tpu.memory_space<vmem>>, vector<16xi32>,
      tpu.vector_store %arg5[%swap3A_92], %select_n3A_91 {strides = array<i32>} : memref<256xi32, #tpu.memory_space<vmem>>, vector<16xi32>,
      %get3A_94 = arith.constant 128 : index
      %get3A_95 = tpu.vector_load %arg4[%get3A_94] {strides = array<i32>} : memref<256xf32, #tpu.memory_space<vmem>>, vector<16xf32>,
      %bitcast_convert_type3A_96 = tpu.bitcast %get3A_95 : vector<16xf32> -> vector<16xi32>
      %lt3A_97 = arith.constant 0 : i32
      %lt3A_98 = vector.broadcast %lt3A_97 : i32 to vector<16xi32>
      %lt3A_99 = arith.cmpi slt, %bitcast_convert_type3A_96, %lt3A_98 : vector<16xi32>
      %xor3A_100 = arith.constant 2147483647 : i32
      %xor3A_101 = vector.broadcast %xor3A_100 : i32 to vector<16xi32>
      %xor3A_102 = arith.xori %bitcast_convert_type3A_96, %xor3A_101 : vector<16xi32>
      %select_n3A_103 = arith.select %lt3A_99, %xor3A_102, %bitcast_convert_type3A_96 : vector<16xi1>, vector<16xi32>
      %swap3A_104 = arith.constant 128 : index
      %swap3A_105 = tpu.vector_load %arg5[%swap3A_104] {strides = array<i32>} : memref<256xi32, #tpu.memory_space<vmem>>, vector<16xi32>,
      tpu.vector_store %arg5[%swap3A_104], %select_n3A_103 {strides = array<i32>} : memref<256xi32, #tpu.memory_space<vmem>>, vector<16xi32>,
      %get3A_106 = arith.constant 144 : index
      %get3A_107 = tpu.vector_load %arg4[%get3A_106] {strides = array<i32>} : memref<256xf32, #tpu.memory_space<vmem>>, vector<16xf32>,
      %bitcast_convert_type3A_108 = tpu.bitcast %get3A_107 : vector<16xf32> -> vector<16xi32>
      %lt3A_109 = arith.constant 0 : i32
      %lt3A_110 = vector.broadcast %lt3A_109 : i32 to vector<16xi32>
      %lt3A_111 = arith.cmpi slt, %bitcast_convert_type3A_108, %lt3A_110 : vector<16xi32>
      %xor3A_112 = arith.constant 2147483647 : i32
      %xor3A_113 = vector.broadcast %xor3A_112 : i32 to vector<16xi32>
      %xor3A_114 = arith.xori %bitcast_convert_type3A_108, %xor3A_113 : vector<16xi32>
      %select_n3A_115 = arith.select %lt3A_111, %xor3A_114, %bitcast_convert_type3A_108 : vector<16xi1>, vector<16xi32>
      %swap3A_116 = arith.constant 144 : index
      %swap3A_117 = tpu.vector_load %arg5[%swap3A_116] {strides = array<i32>} : memref<256xi32, #tpu.memory_space<vmem>>, vector<16xi32>,
      tpu.vector_store %arg5[%swap3A_116], %select_n3A_115 {strides = array<i32>} : memref<256xi32, #tpu.memory_space<vmem>>, vector<16xi32>,
      %get3A_118 = arith.constant 160 : index
      %get3A_119 = tpu.vector_load %arg4[%get3A_118] {strides = array<i32>} : memref<256xf32, #tpu.memory_space<vmem>>, vector<16xf32>,
      %bitcast_convert_type3A_120 = tpu.bitcast %get3A_119 : vector<16xf32> -> vector<16xi32>
      %lt3A_121 = arith.constant 0 : i32
      %lt3A_122 = vector.broadcast %lt3A_121 : i32 to vector<16xi32>
      %lt3A_123 = arith.cmpi slt, %bitcast_convert_type3A_120, %lt3A_122 : vector<16xi32>
      %xor3A_124 = arith.constant 2147483647 : i32
      %xor3A_125 = vector.broadcast %xor3A_124 : i32 to vector<16xi32>
      %xor3A_126 = arith.xori %bitcast_convert_type3A_120, %xor3A_125 : vector<16xi32>
      %select_n3A_127 = arith.select %lt3A_123, %xor3A_126, %bitcast_convert_type3A_120 : vector<16xi1>, vector<16xi32>
      %swap3A_128 = arith.constant 160 : index
      %swap3A_129 = tpu.vector_load %arg5[%swap3A_128] {strides = array<i32>} : memref<256xi32, #tpu.memory_space<vmem>>, vector<16xi32>,
      tpu.vector_store %arg5[%swap3A_128], %select_n3A_127 {strides = array<i32>} : memref<256xi32, #tpu.memory_space<vmem>>, vector<16xi32>,
      %get3A_130 = arith.constant 176 : index
      %get3A_131 = tpu.vector_load %arg4[%get3A_130] {strides = array<i32>} : memref<256xf32, #tpu.memory_space<vmem>>, vector<16xf32>,
      %bitcast_convert_type3A_132 = tpu.bitcast %get3A_131 : vector<16xf32> -> vector<16xi32>
      %lt3A_133 = arith.constant 0 : i32
      %lt3A_134 = vector.broadcast %lt3A_133 : i32 to vector<16xi32>
      %lt3A_135 = arith.cmpi slt, %bitcast_convert_type3A_132, %lt3A_134 : vector<16xi32>
      %xor3A_136 = arith.constant 2147483647 : i32
      %xor3A_137 = vector.broadcast %xor3A_136 : i32 to vector<16xi32>
      %xor3A_138 = arith.xori %bitcast_convert_type3A_132, %xor3A_137 : vector<16xi32>
      %select_n3A_139 = arith.select %lt3A_135, %xor3A_138, %bitcast_convert_type3A_132 : vector<16xi1>, vector<16xi32>
      %swap3A_140 = arith.constant 176 : index
      %swap3A_141 = tpu.vector_load %arg5[%swap3A_140] {strides = array<i32>} : memref<256xi32, #tpu.memory_space<vmem>>, vector<16xi32>,
      tpu.vector_store %arg5[%swap3A_140], %select_n3A_139 {strides = array<i32>} : memref<256xi32, #tpu.memory_space<vmem>>, vector<16xi32>,
      %get3A_142 = arith.constant 192 : index
      %get3A_143 = tpu.vector_load %arg4[%get3A_142] {strides = array<i32>} : memref<256xf32, #tpu.memory_space<vmem>>, vector<16xf32>,
      %bitcast_convert_type3A_144 = tpu.bitcast %get3A_143 : vector<16xf32> -> vector<16xi32>
      %lt3A_145 = arith.constant 0 : i32
      %lt3A_146 = vector.broadcast %lt3A_145 : i32 to vector<16xi32>
      %lt3A_147 = arith.cmpi slt, %bitcast_convert_type3A_144, %lt3A_146 : vector<16xi32>
      %xor3A_148 = arith.constant 2147483647 : i32
      %xor3A_149 = vector.broadcast %xor3A_148 : i32 to vector<16xi32>
      %xor3A_150 = arith.xori %bitcast_convert_type3A_144, %xor3A_149 : vector<16xi32>
      %select_n3A_151 = arith.select %lt3A_147, %xor3A_150, %bitcast_convert_type3A_144 : vector<16xi1>, vector<16xi32>
      %swap3A_152 = arith.constant 192 : index
      %swap3A_153 = tpu.vector_load %arg5[%swap3A_152] {strides = array<i32>} : memref<256xi32, #tpu.memory_space<vmem>>, vector<16xi32>,
      tpu.vector_store %arg5[%swap3A_152], %select_n3A_151 {strides = array<i32>} : memref<256xi32, #tpu.memory_space<vmem>>, vector<16xi32>,
      %get3A_154 = arith.constant 208 : index
      %get3A_155 = tpu.vector_load %arg4[%get3A_154] {strides = array<i32>} : memref<256xf32, #tpu.memory_space<vmem>>, vector<16xf32>,
      %bitcast_convert_type3A_156 = tpu.bitcast %get3A_155 : vector<16xf32> -> vector<16xi32>
      %lt3A_157 = arith.constant 0 : i32
      %lt3A_158 = vector.broadcast %lt3A_157 : i32 to vector<16xi32>
      %lt3A_159 = arith.cmpi slt, %bitcast_convert_type3A_156, %lt3A_158 : vector<16xi32>
      %xor3A_160 = arith.constant 2147483647 : i32
      %xor3A_161 = vector.broadcast %xor3A_160 : i32 to vector<16xi32>
      %xor3A_162 = arith.xori %bitcast_convert_type3A_156, %xor3A_161 : vector<16xi32>
      %select_n3A_163 = arith.select %lt3A_159, %xor3A_162, %bitcast_convert_type3A_156 : vector<16xi1>, vector<16xi32>
      %swap3A_164 = arith.constant 208 : index
      %swap3A_165 = tpu.vector_load %arg5[%swap3A_164] {strides = array<i32>} : memref<256xi32, #tpu.memory_space<vmem>>, vector<16xi32>,
      tpu.vector_store %arg5[%swap3A_164], %select_n3A_163 {strides = array<i32>} : memref<256xi32, #tpu.memory_space<vmem>>, vector<16xi32>,
      %get3A_166 = arith.constant 224 : index
      %get3A_167 = tpu.vector_load %arg4[%get3A_166] {strides = array<i32>} : memref<256xf32, #tpu.memory_space<vmem>>, vector<16xf32>,
      %bitcast_convert_type3A_168 = tpu.bitcast %get3A_167 : vector<16xf32> -> vector<16xi32>
      %lt3A_169 = arith.constant 0 : i32
      %lt3A_170 = vector.broadcast %lt3A_169 : i32 to vector<16xi32>
      %lt3A_171 = arith.cmpi slt, %bitcast_convert_type3A_168, %lt3A_170 : vector<16xi32>
      %xor3A_172 = arith.constant 2147483647 : i32
      %xor3A_173 = vector.broadcast %xor3A_172 : i32 to vector<16xi32>
      %xor3A_174 = arith.xori %bitcast_convert_type3A_168, %xor3A_173 : vector<16xi32>
      %select_n3A_175 = arith.select %lt3A_171, %xor3A_174, %bitcast_convert_type3A_168 : vector<16xi1>, vector<16xi32>
      %swap3A_176 = arith.constant 224 : index
      %swap3A_177 = tpu.vector_load %arg5[%swap3A_176] {strides = array<i32>} : memref<256xi32, #tpu.memory_space<vmem>>, vector<16xi32>,
      tpu.vector_store %arg5[%swap3A_176], %select_n3A_175 {strides = array<i32>} : memref<256xi32, #tpu.memory_space<vmem>>, vector<16xi32>,
      %get3A_178 = arith.constant 240 : index
      %get3A_179 = tpu.vector_load %arg4[%get3A_178] {strides = array<i32>} : memref<256xf32, #tpu.memory_space<vmem>>, vector<16xf32>,
      %bitcast_convert_type3A_180 = tpu.bitcast %get3A_179 : vector<16xf32> -> vector<16xi32>
      %lt3A_181 = arith.constant 0 : i32
      %lt3A_182 = vector.broadcast %lt3A_181 : i32 to vector<16xi32>
      %lt3A_183 = arith.cmpi slt, %bitcast_convert_type3A_180, %lt3A_182 : vector<16xi32>
      %xor3A_184 = arith.constant 2147483647 : i32
      %xor3A_185 = vector.broadcast %xor3A_184 : i32 to vector<16xi32>
      %xor3A_186 = arith.xori %bitcast_convert_type3A_180, %xor3A_185 : vector<16xi32>
      %select_n3A_187 = arith.select %lt3A_183, %xor3A_186, %bitcast_convert_type3A_180 : vector<16xi1>, vector<16xi32>
      %swap3A_188 = arith.constant 240 : index
      %swap3A_189 = tpu.vector_load %arg5[%swap3A_188] {strides = array<i32>} : memref<256xi32, #tpu.memory_space<vmem>>, vector<16xi32>,
      tpu.vector_store %arg5[%swap3A_188], %select_n3A_187 {strides = array<i32>} : memref<256xi32, #tpu.memory_space<vmem>>, vector<16xi32>,
      %broadcast_in_dim3A = arith.constant -2147483648 : i32
      %broadcast_in_dim3A_190 = vector.broadcast %broadcast_in_dim3A : i32 to vector<16xi32>
      %broadcast_in_dim3A_191 = arith.constant 0 : i32
      %broadcast_in_dim3A_192 = vector.broadcast %broadcast_in_dim3A_191 : i32 to vector<16xi32>
      %broadcast_in_dim3A_193 = arith.constant 100 : i32
      %broadcast_in_dim3A_194 = vector.broadcast %broadcast_in_dim3A_193 : i32 to vector<16xi32>
      %scan3A = arith.constant 0 : i32
      %scan3A_195 = arith.constant 32 : i32
      %scan3A_196 = arith.addi %scan3A, %scan3A_195 : i32
      %scan3A_197 = arith.constant 1 : i32
      %scan3A_198:3 = scf.for %scan3A_529 = %scan3A to %scan3A_196 step %scan3A_197 iter_args(%scan3A_530 = %broadcast_in_dim3A_192, %scan3A_531 = %broadcast_in_dim3A_194, %scan3A_532 = %broadcast_in_dim3A_192) -> (vector<16xi32>, vector<16xi32>, vector<16xi32>)  : i32 {
        %broadcast_in_dim3A_533 = arith.constant 1 : i32
        %broadcast_in_dim3A_534 = vector.broadcast %broadcast_in_dim3A_533 : i32 to vector<16xi32>
        %sub3A = arith.constant 31 : i32
        %sub3A_535 = arith.subi %sub3A, %scan3A_529 : i32
        %broadcast_in_dim3A_536 = vector.broadcast %sub3A_535 : i32 to vector<16xi32>
        %shift_left3A = arith.shli %broadcast_in_dim3A_534, %broadcast_in_dim3A_536 : vector<16xi32>
        %or3A_537 = arith.ori %scan3A_530, %shift_left3A : vector<16xi32>
        %or3A_538 = arith.ori %scan3A_532, %shift_left3A : vector<16xi32>
        %get3A_539 = arith.constant 0 : index
        %get3A_540 = tpu.vector_load %arg5[%get3A_539] {strides = array<i32>} : memref<256xi32, #tpu.memory_space<vmem>>, vector<16xi32>,
        %xor3A_541 = arith.xori %get3A_540, %broadcast_in_dim3A_190 : vector<16xi32>
        %and3A_542 = arith.andi %xor3A_541, %or3A_538 : vector<16xi32>
        %eq3A_543 = arith.cmpi eq, %and3A_542, %or3A_537 : vector<16xi32>
        %all_reduce_population_count3A_544 = tpu.all_reduce %eq3A_543 {dim = 0 : i64, kind = #tpu.reduction_kind<sum>} : vector<16xi1> -> vector<16xi32>
        %add3A_545 = arith.addi %broadcast_in_dim3A_192, %all_reduce_population_count3A_544 : vector<16xi32>
        %get3A_546 = arith.constant 16 : index
        %get3A_547 = tpu.vector_load %arg5[%get3A_546] {strides = array<i32>} : memref<256xi32, #tpu.memory_space<vmem>>, vector<16xi32>,
        %xor3A_548 = arith.xori %get3A_547, %broadcast_in_dim3A_190 : vector<16xi32>
        %and3A_549 = arith.andi %xor3A_548, %or3A_538 : vector<16xi32>
        %eq3A_550 = arith.cmpi eq, %and3A_549, %or3A_537 : vector<16xi32>
        %all_reduce_population_count3A_551 = tpu.all_reduce %eq3A_550 {dim = 0 : i64, kind = #tpu.reduction_kind<sum>} : vector<16xi1> -> vector<16xi32>
        %add3A_552 = arith.addi %add3A_545, %all_reduce_population_count3A_551 : vector<16xi32>
        %get3A_553 = arith.constant 32 : index
        %get3A_554 = tpu.vector_load %arg5[%get3A_553] {strides = array<i32>} : memref<256xi32, #tpu.memory_space<vmem>>, vector<16xi32>,
        %xor3A_555 = arith.xori %get3A_554, %broadcast_in_dim3A_190 : vector<16xi32>
        %and3A_556 = arith.andi %xor3A_555, %or3A_538 : vector<16xi32>
        %eq3A_557 = arith.cmpi eq, %and3A_556, %or3A_537 : vector<16xi32>
        %all_reduce_population_count3A_558 = tpu.all_reduce %eq3A_557 {dim = 0 : i64, kind = #tpu.reduction_kind<sum>} : vector<16xi1> -> vector<16xi32>
        %add3A_559 = arith.addi %add3A_552, %all_reduce_population_count3A_558 : vector<16xi32>
        %get3A_560 = arith.constant 48 : index
        %get3A_561 = tpu.vector_load %arg5[%get3A_560] {strides = array<i32>} : memref<256xi32, #tpu.memory_space<vmem>>, vector<16xi32>,
        %xor3A_562 = arith.xori %get3A_561, %broadcast_in_dim3A_190 : vector<16xi32>
        %and3A_563 = arith.andi %xor3A_562, %or3A_538 : vector<16xi32>
        %eq3A_564 = arith.cmpi eq, %and3A_563, %or3A_537 : vector<16xi32>
        %all_reduce_population_count3A_565 = tpu.all_reduce %eq3A_564 {dim = 0 : i64, kind = #tpu.reduction_kind<sum>} : vector<16xi1> -> vector<16xi32>
        %add3A_566 = arith.addi %add3A_559, %all_reduce_population_count3A_565 : vector<16xi32>
        %get3A_567 = arith.constant 64 : index
        %get3A_568 = tpu.vector_load %arg5[%get3A_567] {strides = array<i32>} : memref<256xi32, #tpu.memory_space<vmem>>, vector<16xi32>,
        %xor3A_569 = arith.xori %get3A_568, %broadcast_in_dim3A_190 : vector<16xi32>
        %and3A_570 = arith.andi %xor3A_569, %or3A_538 : vector<16xi32>
        %eq3A_571 = arith.cmpi eq, %and3A_570, %or3A_537 : vector<16xi32>
        %all_reduce_population_count3A_572 = tpu.all_reduce %eq3A_571 {dim = 0 : i64, kind = #tpu.reduction_kind<sum>} : vector<16xi1> -> vector<16xi32>
        %add3A_573 = arith.addi %add3A_566, %all_reduce_population_count3A_572 : vector<16xi32>
        %get3A_574 = arith.constant 80 : index
        %get3A_575 = tpu.vector_load %arg5[%get3A_574] {strides = array<i32>} : memref<256xi32, #tpu.memory_space<vmem>>, vector<16xi32>,
        %xor3A_576 = arith.xori %get3A_575, %broadcast_in_dim3A_190 : vector<16xi32>
        %and3A_577 = arith.andi %xor3A_576, %or3A_538 : vector<16xi32>
        %eq3A_578 = arith.cmpi eq, %and3A_577, %or3A_537 : vector<16xi32>
        %all_reduce_population_count3A_579 = tpu.all_reduce %eq3A_578 {dim = 0 : i64, kind = #tpu.reduction_kind<sum>} : vector<16xi1> -> vector<16xi32>
        %add3A_580 = arith.addi %add3A_573, %all_reduce_population_count3A_579 : vector<16xi32>
        %get3A_581 = arith.constant 96 : index
        %get3A_582 = tpu.vector_load %arg5[%get3A_581] {strides = array<i32>} : memref<256xi32, #tpu.memory_space<vmem>>, vector<16xi32>,
        %xor3A_583 = arith.xori %get3A_582, %broadcast_in_dim3A_190 : vector<16xi32>
        %and3A_584 = arith.andi %xor3A_583, %or3A_538 : vector<16xi32>
        %eq3A_585 = arith.cmpi eq, %and3A_584, %or3A_537 : vector<16xi32>
        %all_reduce_population_count3A_586 = tpu.all_reduce %eq3A_585 {dim = 0 : i64, kind = #tpu.reduction_kind<sum>} : vector<16xi1> -> vector<16xi32>
        %add3A_587 = arith.addi %add3A_580, %all_reduce_population_count3A_586 : vector<16xi32>
        %get3A_588 = arith.constant 112 : index
        %get3A_589 = tpu.vector_load %arg5[%get3A_588] {strides = array<i32>} : memref<256xi32, #tpu.memory_space<vmem>>, vector<16xi32>,
        %xor3A_590 = arith.xori %get3A_589, %broadcast_in_dim3A_190 : vector<16xi32>
        %and3A_591 = arith.andi %xor3A_590, %or3A_538 : vector<16xi32>
        %eq3A_592 = arith.cmpi eq, %and3A_591, %or3A_537 : vector<16xi32>
        %all_reduce_population_count3A_593 = tpu.all_reduce %eq3A_592 {dim = 0 : i64, kind = #tpu.reduction_kind<sum>} : vector<16xi1> -> vector<16xi32>
        %add3A_594 = arith.addi %add3A_587, %all_reduce_population_count3A_593 : vector<16xi32>
        %get3A_595 = arith.constant 128 : index
        %get3A_596 = tpu.vector_load %arg5[%get3A_595] {strides = array<i32>} : memref<256xi32, #tpu.memory_space<vmem>>, vector<16xi32>,
        %xor3A_597 = arith.xori %get3A_596, %broadcast_in_dim3A_190 : vector<16xi32>
        %and3A_598 = arith.andi %xor3A_597, %or3A_538 : vector<16xi32>
        %eq3A_599 = arith.cmpi eq, %and3A_598, %or3A_537 : vector<16xi32>
        %all_reduce_population_count3A_600 = tpu.all_reduce %eq3A_599 {dim = 0 : i64, kind = #tpu.reduction_kind<sum>} : vector<16xi1> -> vector<16xi32>
        %add3A_601 = arith.addi %add3A_594, %all_reduce_population_count3A_600 : vector<16xi32>
        %get3A_602 = arith.constant 144 : index
        %get3A_603 = tpu.vector_load %arg5[%get3A_602] {strides = array<i32>} : memref<256xi32, #tpu.memory_space<vmem>>, vector<16xi32>,
        %xor3A_604 = arith.xori %get3A_603, %broadcast_in_dim3A_190 : vector<16xi32>
        %and3A_605 = arith.andi %xor3A_604, %or3A_538 : vector<16xi32>
        %eq3A_606 = arith.cmpi eq, %and3A_605, %or3A_537 : vector<16xi32>
        %all_reduce_population_count3A_607 = tpu.all_reduce %eq3A_606 {dim = 0 : i64, kind = #tpu.reduction_kind<sum>} : vector<16xi1> -> vector<16xi32>
        %add3A_608 = arith.addi %add3A_601, %all_reduce_population_count3A_607 : vector<16xi32>
        %get3A_609 = arith.constant 160 : index
        %get3A_610 = tpu.vector_load %arg5[%get3A_609] {strides = array<i32>} : memref<256xi32, #tpu.memory_space<vmem>>, vector<16xi32>,
        %xor3A_611 = arith.xori %get3A_610, %broadcast_in_dim3A_190 : vector<16xi32>
        %and3A_612 = arith.andi %xor3A_611, %or3A_538 : vector<16xi32>
        %eq3A_613 = arith.cmpi eq, %and3A_612, %or3A_537 : vector<16xi32>
        %all_reduce_population_count3A_614 = tpu.all_reduce %eq3A_613 {dim = 0 : i64, kind = #tpu.reduction_kind<sum>} : vector<16xi1> -> vector<16xi32>
        %add3A_615 = arith.addi %add3A_608, %all_reduce_population_count3A_614 : vector<16xi32>
        %get3A_616 = arith.constant 176 : index
        %get3A_617 = tpu.vector_load %arg5[%get3A_616] {strides = array<i32>} : memref<256xi32, #tpu.memory_space<vmem>>, vector<16xi32>,
        %xor3A_618 = arith.xori %get3A_617, %broadcast_in_dim3A_190 : vector<16xi32>
        %and3A_619 = arith.andi %xor3A_618, %or3A_538 : vector<16xi32>
        %eq3A_620 = arith.cmpi eq, %and3A_619, %or3A_537 : vector<16xi32>
        %all_reduce_population_count3A_621 = tpu.all_reduce %eq3A_620 {dim = 0 : i64, kind = #tpu.reduction_kind<sum>} : vector<16xi1> -> vector<16xi32>
        %add3A_622 = arith.addi %add3A_615, %all_reduce_population_count3A_621 : vector<16xi32>
        %get3A_623 = arith.constant 192 : index
        %get3A_624 = tpu.vector_load %arg5[%get3A_623] {strides = array<i32>} : memref<256xi32, #tpu.memory_space<vmem>>, vector<16xi32>,
        %xor3A_625 = arith.xori %get3A_624, %broadcast_in_dim3A_190 : vector<16xi32>
        %and3A_626 = arith.andi %xor3A_625, %or3A_538 : vector<16xi32>
        %eq3A_627 = arith.cmpi eq, %and3A_626, %or3A_537 : vector<16xi32>
        %all_reduce_population_count3A_628 = tpu.all_reduce %eq3A_627 {dim = 0 : i64, kind = #tpu.reduction_kind<sum>} : vector<16xi1> -> vector<16xi32>
        %add3A_629 = arith.addi %add3A_622, %all_reduce_population_count3A_628 : vector<16xi32>
        %get3A_630 = arith.constant 208 : index
        %get3A_631 = tpu.vector_load %arg5[%get3A_630] {strides = array<i32>} : memref<256xi32, #tpu.memory_space<vmem>>, vector<16xi32>,
        %xor3A_632 = arith.xori %get3A_631, %broadcast_in_dim3A_190 : vector<16xi32>
        %and3A_633 = arith.andi %xor3A_632, %or3A_538 : vector<16xi32>
        %eq3A_634 = arith.cmpi eq, %and3A_633, %or3A_537 : vector<16xi32>
        %all_reduce_population_count3A_635 = tpu.all_reduce %eq3A_634 {dim = 0 : i64, kind = #tpu.reduction_kind<sum>} : vector<16xi1> -> vector<16xi32>
        %add3A_636 = arith.addi %add3A_629, %all_reduce_population_count3A_635 : vector<16xi32>
        %get3A_637 = arith.constant 224 : index
        %get3A_638 = tpu.vector_load %arg5[%get3A_637] {strides = array<i32>} : memref<256xi32, #tpu.memory_space<vmem>>, vector<16xi32>,
        %xor3A_639 = arith.xori %get3A_638, %broadcast_in_dim3A_190 : vector<16xi32>
        %and3A_640 = arith.andi %xor3A_639, %or3A_538 : vector<16xi32>
        %eq3A_641 = arith.cmpi eq, %and3A_640, %or3A_537 : vector<16xi32>
        %all_reduce_population_count3A_642 = tpu.all_reduce %eq3A_641 {dim = 0 : i64, kind = #tpu.reduction_kind<sum>} : vector<16xi1> -> vector<16xi32>
        %add3A_643 = arith.addi %add3A_636, %all_reduce_population_count3A_642 : vector<16xi32>
        %get3A_644 = arith.constant 240 : index
        %get3A_645 = tpu.vector_load %arg5[%get3A_644] {strides = array<i32>} : memref<256xi32, #tpu.memory_space<vmem>>, vector<16xi32>,
        %xor3A_646 = arith.xori %get3A_645, %broadcast_in_dim3A_190 : vector<16xi32>
        %and3A_647 = arith.andi %xor3A_646, %or3A_538 : vector<16xi32>
        %eq3A_648 = arith.cmpi eq, %and3A_647, %or3A_537 : vector<16xi32>
        %all_reduce_population_count3A_649 = tpu.all_reduce %eq3A_648 {dim = 0 : i64, kind = #tpu.reduction_kind<sum>} : vector<16xi1> -> vector<16xi32>
        %add3A_650 = arith.addi %add3A_643, %all_reduce_population_count3A_649 : vector<16xi32>
        %ge3A = arith.cmpi sge, %add3A_650, %scan3A_531 : vector<16xi32>
        %select_n3A_651 = arith.select %ge3A, %or3A_537, %scan3A_530 : vector<16xi1>, vector<16xi32>
        %sub3A_652 = arith.subi %scan3A_531, %add3A_650 : vector<16xi32>
        %select_n3A_653 = arith.select %ge3A, %scan3A_531, %sub3A_652 : vector<16xi1>, vector<16xi32>
        scf.yield %select_n3A_651, %select_n3A_653, %or3A_538 : vector<16xi32>, vector<16xi32>, vector<16xi32>
      }
      %scan3A_199 = arith.constant 32 : i32
      %xor3A_200 = arith.xori %scan3A_198#0, %broadcast_in_dim3A_190 : vector<16xi32>
      %get3A_201 = arith.constant 0 : index
      %get3A_202 = tpu.vector_load %arg5[%get3A_201] {strides = array<i32>} : memref<256xi32, #tpu.memory_space<vmem>>, vector<16xi32>,
      %get3A_203 = arith.constant 0 : index
      %get3A_204 = tpu.vector_load %arg4[%get3A_203] {strides = array<i32>} : memref<256xf32, #tpu.memory_space<vmem>>, vector<16xf32>,
      %gt3A = arith.cmpi sgt, %get3A_202, %xor3A_200 : vector<16xi32>
      %eq3A = arith.cmpi eq, %get3A_202, %xor3A_200 : vector<16xi32>
      %convert_element_type3A_205 = arith.extui %eq3A : vector<16xi1> to vector<16xi32>
      %cumsum3A = arith.constant true
      %cumsum3A_206 = vector.broadcast %cumsum3A : i1 to vector<16xi1>
      %cumsum3A_207 = tpu.scan <sum>, %convert_element_type3A_205 masked %cumsum3A_206 : vector<16xi32>, vector<16xi1> -> vector<16xi32>
      %add3A_208 = arith.addi %broadcast_in_dim3A_192, %cumsum3A_207 : vector<16xi32>
      %le3A = arith.cmpi sle, %add3A_208, %scan3A_198#1 : vector<16xi32>
      %and3A = arith.andi %eq3A, %le3A : vector<16xi1>
      %or3A = arith.ori %gt3A, %and3A : vector<16xi1>
      %jit3A = arith.constant 0.000000e+00 : f32
      %broadcast_in_dim3A_209 = vector.broadcast %jit3A : f32 to vector<16xf32>
      %select_n3A_210 = arith.select %or3A, %get3A_204, %broadcast_in_dim3A_209 : vector<16xi1>, vector<16xf32>
      %swap3A_211 = arith.constant 0 : index
      %swap3A_212 = tpu.vector_load %arg6[%swap3A_211] {strides = array<i32>} : memref<256xf32, #tpu.memory_space<vmem>>, vector<16xf32>,
      tpu.vector_store %arg6[%swap3A_211], %select_n3A_210 {strides = array<i32>} : memref<256xf32, #tpu.memory_space<vmem>>, vector<16xf32>,
      %all_reduce_population_count3A = tpu.all_reduce %eq3A {dim = 0 : i64, kind = #tpu.reduction_kind<sum>} : vector<16xi1> -> vector<16xi32>
      %add3A_213 = arith.addi %broadcast_in_dim3A_192, %all_reduce_population_count3A : vector<16xi32>
      %get3A_214 = arith.constant 16 : index
      %get3A_215 = tpu.vector_load %arg5[%get3A_214] {strides = array<i32>} : memref<256xi32, #tpu.memory_space<vmem>>, vector<16xi32>,
      %get3A_216 = arith.constant 16 : index
      %get3A_217 = tpu.vector_load %arg4[%get3A_216] {strides = array<i32>} : memref<256xf32, #tpu.memory_space<vmem>>, vector<16xf32>,
      %gt3A_218 = arith.cmpi sgt, %get3A_215, %xor3A_200 : vector<16xi32>
      %eq3A_219 = arith.cmpi eq, %get3A_215, %xor3A_200 : vector<16xi32>
      %convert_element_type3A_220 = arith.extui %eq3A_219 : vector<16xi1> to vector<16xi32>
      %cumsum3A_221 = arith.constant true
      %cumsum3A_222 = vector.broadcast %cumsum3A_221 : i1 to vector<16xi1>
      %cumsum3A_223 = tpu.scan <sum>, %convert_element_type3A_220 masked %cumsum3A_222 : vector<16xi32>, vector<16xi1> -> vector<16xi32>
      %add3A_224 = arith.addi %add3A_213, %cumsum3A_223 : vector<16xi32>
      %le3A_225 = arith.cmpi sle, %add3A_224, %scan3A_198#1 : vector<16xi32>
      %and3A_226 = arith.andi %eq3A_219, %le3A_225 : vector<16xi1>
      %or3A_227 = arith.ori %gt3A_218, %and3A_226 : vector<16xi1>
      %jit3A_228 = arith.constant 0.000000e+00 : f32
      %broadcast_in_dim3A_229 = vector.broadcast %jit3A_228 : f32 to vector<16xf32>
      %select_n3A_230 = arith.select %or3A_227, %get3A_217, %broadcast_in_dim3A_229 : vector<16xi1>, vector<16xf32>
      %swap3A_231 = arith.constant 16 : index
      %swap3A_232 = tpu.vector_load %arg6[%swap3A_231] {strides = array<i32>} : memref<256xf32, #tpu.memory_space<vmem>>, vector<16xf32>,
      tpu.vector_store %arg6[%swap3A_231], %select_n3A_230 {strides = array<i32>} : memref<256xf32, #tpu.memory_space<vmem>>, vector<16xf32>,
      %all_reduce_population_count3A_233 = tpu.all_reduce %eq3A_219 {dim = 0 : i64, kind = #tpu.reduction_kind<sum>} : vector<16xi1> -> vector<16xi32>
      %add3A_234 = arith.addi %add3A_213, %all_reduce_population_count3A_233 : vector<16xi32>
      %get3A_235 = arith.constant 32 : index
      %get3A_236 = tpu.vector_load %arg5[%get3A_235] {strides = array<i32>} : memref<256xi32, #tpu.memory_space<vmem>>, vector<16xi32>,
      %get3A_237 = arith.constant 32 : index
      %get3A_238 = tpu.vector_load %arg4[%get3A_237] {strides = array<i32>} : memref<256xf32, #tpu.memory_space<vmem>>, vector<16xf32>,
      %gt3A_239 = arith.cmpi sgt, %get3A_236, %xor3A_200 : vector<16xi32>
      %eq3A_240 = arith.cmpi eq, %get3A_236, %xor3A_200 : vector<16xi32>
      %convert_element_type3A_241 = arith.extui %eq3A_240 : vector<16xi1> to vector<16xi32>
      %cumsum3A_242 = arith.constant true
      %cumsum3A_243 = vector.broadcast %cumsum3A_242 : i1 to vector<16xi1>
      %cumsum3A_244 = tpu.scan <sum>, %convert_element_type3A_241 masked %cumsum3A_243 : vector<16xi32>, vector<16xi1> -> vector<16xi32>
      %add3A_245 = arith.addi %add3A_234, %cumsum3A_244 : vector<16xi32>
      %le3A_246 = arith.cmpi sle, %add3A_245, %scan3A_198#1 : vector<16xi32>
      %and3A_247 = arith.andi %eq3A_240, %le3A_246 : vector<16xi1>
      %or3A_248 = arith.ori %gt3A_239, %and3A_247 : vector<16xi1>
      %jit3A_249 = arith.constant 0.000000e+00 : f32
      %broadcast_in_dim3A_250 = vector.broadcast %jit3A_249 : f32 to vector<16xf32>
      %select_n3A_251 = arith.select %or3A_248, %get3A_238, %broadcast_in_dim3A_250 : vector<16xi1>, vector<16xf32>
      %swap3A_252 = arith.constant 32 : index
      %swap3A_253 = tpu.vector_load %arg6[%swap3A_252] {strides = array<i32>} : memref<256xf32, #tpu.memory_space<vmem>>, vector<16xf32>,
      tpu.vector_store %arg6[%swap3A_252], %select_n3A_251 {strides = array<i32>} : memref<256xf32, #tpu.memory_space<vmem>>, vector<16xf32>,
      %all_reduce_population_count3A_254 = tpu.all_reduce %eq3A_240 {dim = 0 : i64, kind = #tpu.reduction_kind<sum>} : vector<16xi1> -> vector<16xi32>
      %add3A_255 = arith.addi %add3A_234, %all_reduce_population_count3A_254 : vector<16xi32>
      %get3A_256 = arith.constant 48 : index
      %get3A_257 = tpu.vector_load %arg5[%get3A_256] {strides = array<i32>} : memref<256xi32, #tpu.memory_space<vmem>>, vector<16xi32>,
      %get3A_258 = arith.constant 48 : index
      %get3A_259 = tpu.vector_load %arg4[%get3A_258] {strides = array<i32>} : memref<256xf32, #tpu.memory_space<vmem>>, vector<16xf32>,
      %gt3A_260 = arith.cmpi sgt, %get3A_257, %xor3A_200 : vector<16xi32>
      %eq3A_261 = arith.cmpi eq, %get3A_257, %xor3A_200 : vector<16xi32>
      %convert_element_type3A_262 = arith.extui %eq3A_261 : vector<16xi1> to vector<16xi32>
      %cumsum3A_263 = arith.constant true
      %cumsum3A_264 = vector.broadcast %cumsum3A_263 : i1 to vector<16xi1>
      %cumsum3A_265 = tpu.scan <sum>, %convert_element_type3A_262 masked %cumsum3A_264 : vector<16xi32>, vector<16xi1> -> vector<16xi32>
      %add3A_266 = arith.addi %add3A_255, %cumsum3A_265 : vector<16xi32>
      %le3A_267 = arith.cmpi sle, %add3A_266, %scan3A_198#1 : vector<16xi32>
      %and3A_268 = arith.andi %eq3A_261, %le3A_267 : vector<16xi1>
      %or3A_269 = arith.ori %gt3A_260, %and3A_268 : vector<16xi1>
      %jit3A_270 = arith.constant 0.000000e+00 : f32
      %broadcast_in_dim3A_271 = vector.broadcast %jit3A_270 : f32 to vector<16xf32>
      %select_n3A_272 = arith.select %or3A_269, %get3A_259, %broadcast_in_dim3A_271 : vector<16xi1>, vector<16xf32>
      %swap3A_273 = arith.constant 48 : index
      %swap3A_274 = tpu.vector_load %arg6[%swap3A_273] {strides = array<i32>} : memref<256xf32, #tpu.memory_space<vmem>>, vector<16xf32>,
      tpu.vector_store %arg6[%swap3A_273], %select_n3A_272 {strides = array<i32>} : memref<256xf32, #tpu.memory_space<vmem>>, vector<16xf32>,
      %all_reduce_population_count3A_275 = tpu.all_reduce %eq3A_261 {dim = 0 : i64, kind = #tpu.reduction_kind<sum>} : vector<16xi1> -> vector<16xi32>
      %add3A_276 = arith.addi %add3A_255, %all_reduce_population_count3A_275 : vector<16xi32>
      %get3A_277 = arith.constant 64 : index
      %get3A_278 = tpu.vector_load %arg5[%get3A_277] {strides = array<i32>} : memref<256xi32, #tpu.memory_space<vmem>>, vector<16xi32>,
      %get3A_279 = arith.constant 64 : index
      %get3A_280 = tpu.vector_load %arg4[%get3A_279] {strides = array<i32>} : memref<256xf32, #tpu.memory_space<vmem>>, vector<16xf32>,
      %gt3A_281 = arith.cmpi sgt, %get3A_278, %xor3A_200 : vector<16xi32>
      %eq3A_282 = arith.cmpi eq, %get3A_278, %xor3A_200 : vector<16xi32>
      %convert_element_type3A_283 = arith.extui %eq3A_282 : vector<16xi1> to vector<16xi32>
      %cumsum3A_284 = arith.constant true
      %cumsum3A_285 = vector.broadcast %cumsum3A_284 : i1 to vector<16xi1>
      %cumsum3A_286 = tpu.scan <sum>, %convert_element_type3A_283 masked %cumsum3A_285 : vector<16xi32>, vector<16xi1> -> vector<16xi32>
      %add3A_287 = arith.addi %add3A_276, %cumsum3A_286 : vector<16xi32>
      %le3A_288 = arith.cmpi sle, %add3A_287, %scan3A_198#1 : vector<16xi32>
      %and3A_289 = arith.andi %eq3A_282, %le3A_288 : vector<16xi1>
      %or3A_290 = arith.ori %gt3A_281, %and3A_289 : vector<16xi1>
      %jit3A_291 = arith.constant 0.000000e+00 : f32
      %broadcast_in_dim3A_292 = vector.broadcast %jit3A_291 : f32 to vector<16xf32>
      %select_n3A_293 = arith.select %or3A_290, %get3A_280, %broadcast_in_dim3A_292 : vector<16xi1>, vector<16xf32>
      %swap3A_294 = arith.constant 64 : index
      %swap3A_295 = tpu.vector_load %arg6[%swap3A_294] {strides = array<i32>} : memref<256xf32, #tpu.memory_space<vmem>>, vector<16xf32>,
      tpu.vector_store %arg6[%swap3A_294], %select_n3A_293 {strides = array<i32>} : memref<256xf32, #tpu.memory_space<vmem>>, vector<16xf32>,
      %all_reduce_population_count3A_296 = tpu.all_reduce %eq3A_282 {dim = 0 : i64, kind = #tpu.reduction_kind<sum>} : vector<16xi1> -> vector<16xi32>
      %add3A_297 = arith.addi %add3A_276, %all_reduce_population_count3A_296 : vector<16xi32>
      %get3A_298 = arith.constant 80 : index
      %get3A_299 = tpu.vector_load %arg5[%get3A_298] {strides = array<i32>} : memref<256xi32, #tpu.memory_space<vmem>>, vector<16xi32>,
      %get3A_300 = arith.constant 80 : index
      %get3A_301 = tpu.vector_load %arg4[%get3A_300] {strides = array<i32>} : memref<256xf32, #tpu.memory_space<vmem>>, vector<16xf32>,
      %gt3A_302 = arith.cmpi sgt, %get3A_299, %xor3A_200 : vector<16xi32>
      %eq3A_303 = arith.cmpi eq, %get3A_299, %xor3A_200 : vector<16xi32>
      %convert_element_type3A_304 = arith.extui %eq3A_303 : vector<16xi1> to vector<16xi32>
      %cumsum3A_305 = arith.constant true
      %cumsum3A_306 = vector.broadcast %cumsum3A_305 : i1 to vector<16xi1>
      %cumsum3A_307 = tpu.scan <sum>, %convert_element_type3A_304 masked %cumsum3A_306 : vector<16xi32>, vector<16xi1> -> vector<16xi32>
      %add3A_308 = arith.addi %add3A_297, %cumsum3A_307 : vector<16xi32>
      %le3A_309 = arith.cmpi sle, %add3A_308, %scan3A_198#1 : vector<16xi32>
      %and3A_310 = arith.andi %eq3A_303, %le3A_309 : vector<16xi1>
      %or3A_311 = arith.ori %gt3A_302, %and3A_310 : vector<16xi1>
      %jit3A_312 = arith.constant 0.000000e+00 : f32
      %broadcast_in_dim3A_313 = vector.broadcast %jit3A_312 : f32 to vector<16xf32>
      %select_n3A_314 = arith.select %or3A_311, %get3A_301, %broadcast_in_dim3A_313 : vector<16xi1>, vector<16xf32>
      %swap3A_315 = arith.constant 80 : index
      %swap3A_316 = tpu.vector_load %arg6[%swap3A_315] {strides = array<i32>} : memref<256xf32, #tpu.memory_space<vmem>>, vector<16xf32>,
      tpu.vector_store %arg6[%swap3A_315], %select_n3A_314 {strides = array<i32>} : memref<256xf32, #tpu.memory_space<vmem>>, vector<16xf32>,
      %all_reduce_population_count3A_317 = tpu.all_reduce %eq3A_303 {dim = 0 : i64, kind = #tpu.reduction_kind<sum>} : vector<16xi1> -> vector<16xi32>
      %add3A_318 = arith.addi %add3A_297, %all_reduce_population_count3A_317 : vector<16xi32>
      %get3A_319 = arith.constant 96 : index
      %get3A_320 = tpu.vector_load %arg5[%get3A_319] {strides = array<i32>} : memref<256xi32, #tpu.memory_space<vmem>>, vector<16xi32>,
      %get3A_321 = arith.constant 96 : index
      %get3A_322 = tpu.vector_load %arg4[%get3A_321] {strides = array<i32>} : memref<256xf32, #tpu.memory_space<vmem>>, vector<16xf32>,
      %gt3A_323 = arith.cmpi sgt, %get3A_320, %xor3A_200 : vector<16xi32>
      %eq3A_324 = arith.cmpi eq, %get3A_320, %xor3A_200 : vector<16xi32>
      %convert_element_type3A_325 = arith.extui %eq3A_324 : vector<16xi1> to vector<16xi32>
      %cumsum3A_326 = arith.constant true
      %cumsum3A_327 = vector.broadcast %cumsum3A_326 : i1 to vector<16xi1>
      %cumsum3A_328 = tpu.scan <sum>, %convert_element_type3A_325 masked %cumsum3A_327 : vector<16xi32>, vector<16xi1> -> vector<16xi32>
      %add3A_329 = arith.addi %add3A_318, %cumsum3A_328 : vector<16xi32>
      %le3A_330 = arith.cmpi sle, %add3A_329, %scan3A_198#1 : vector<16xi32>
      %and3A_331 = arith.andi %eq3A_324, %le3A_330 : vector<16xi1>
      %or3A_332 = arith.ori %gt3A_323, %and3A_331 : vector<16xi1>
      %jit3A_333 = arith.constant 0.000000e+00 : f32
      %broadcast_in_dim3A_334 = vector.broadcast %jit3A_333 : f32 to vector<16xf32>
      %select_n3A_335 = arith.select %or3A_332, %get3A_322, %broadcast_in_dim3A_334 : vector<16xi1>, vector<16xf32>
      %swap3A_336 = arith.constant 96 : index
      %swap3A_337 = tpu.vector_load %arg6[%swap3A_336] {strides = array<i32>} : memref<256xf32, #tpu.memory_space<vmem>>, vector<16xf32>,
      tpu.vector_store %arg6[%swap3A_336], %select_n3A_335 {strides = array<i32>} : memref<256xf32, #tpu.memory_space<vmem>>, vector<16xf32>,
      %all_reduce_population_count3A_338 = tpu.all_reduce %eq3A_324 {dim = 0 : i64, kind = #tpu.reduction_kind<sum>} : vector<16xi1> -> vector<16xi32>
      %add3A_339 = arith.addi %add3A_318, %all_reduce_population_count3A_338 : vector<16xi32>
      %get3A_340 = arith.constant 112 : index
      %get3A_341 = tpu.vector_load %arg5[%get3A_340] {strides = array<i32>} : memref<256xi32, #tpu.memory_space<vmem>>, vector<16xi32>,
      %get3A_342 = arith.constant 112 : index
      %get3A_343 = tpu.vector_load %arg4[%get3A_342] {strides = array<i32>} : memref<256xf32, #tpu.memory_space<vmem>>, vector<16xf32>,
      %gt3A_344 = arith.cmpi sgt, %get3A_341, %xor3A_200 : vector<16xi32>
      %eq3A_345 = arith.cmpi eq, %get3A_341, %xor3A_200 : vector<16xi32>
      %convert_element_type3A_346 = arith.extui %eq3A_345 : vector<16xi1> to vector<16xi32>
      %cumsum3A_347 = arith.constant true
      %cumsum3A_348 = vector.broadcast %cumsum3A_347 : i1 to vector<16xi1>
      %cumsum3A_349 = tpu.scan <sum>, %convert_element_type3A_346 masked %cumsum3A_348 : vector<16xi32>, vector<16xi1> -> vector<16xi32>
      %add3A_350 = arith.addi %add3A_339, %cumsum3A_349 : vector<16xi32>
      %le3A_351 = arith.cmpi sle, %add3A_350, %scan3A_198#1 : vector<16xi32>
      %and3A_352 = arith.andi %eq3A_345, %le3A_351 : vector<16xi1>
      %or3A_353 = arith.ori %gt3A_344, %and3A_352 : vector<16xi1>
      %jit3A_354 = arith.constant 0.000000e+00 : f32
      %broadcast_in_dim3A_355 = vector.broadcast %jit3A_354 : f32 to vector<16xf32>
      %select_n3A_356 = arith.select %or3A_353, %get3A_343, %broadcast_in_dim3A_355 : vector<16xi1>, vector<16xf32>
      %swap3A_357 = arith.constant 112 : index
      %swap3A_358 = tpu.vector_load %arg6[%swap3A_357] {strides = array<i32>} : memref<256xf32, #tpu.memory_space<vmem>>, vector<16xf32>,
      tpu.vector_store %arg6[%swap3A_357], %select_n3A_356 {strides = array<i32>} : memref<256xf32, #tpu.memory_space<vmem>>, vector<16xf32>,
      %all_reduce_population_count3A_359 = tpu.all_reduce %eq3A_345 {dim = 0 : i64, kind = #tpu.reduction_kind<sum>} : vector<16xi1> -> vector<16xi32>
      %add3A_360 = arith.addi %add3A_339, %all_reduce_population_count3A_359 : vector<16xi32>
      %get3A_361 = arith.constant 128 : index
      %get3A_362 = tpu.vector_load %arg5[%get3A_361] {strides = array<i32>} : memref<256xi32, #tpu.memory_space<vmem>>, vector<16xi32>,
      %get3A_363 = arith.constant 128 : index
      %get3A_364 = tpu.vector_load %arg4[%get3A_363] {strides = array<i32>} : memref<256xf32, #tpu.memory_space<vmem>>, vector<16xf32>,
      %gt3A_365 = arith.cmpi sgt, %get3A_362, %xor3A_200 : vector<16xi32>
      %eq3A_366 = arith.cmpi eq, %get3A_362, %xor3A_200 : vector<16xi32>
      %convert_element_type3A_367 = arith.extui %eq3A_366 : vector<16xi1> to vector<16xi32>
      %cumsum3A_368 = arith.constant true
      %cumsum3A_369 = vector.broadcast %cumsum3A_368 : i1 to vector<16xi1>
      %cumsum3A_370 = tpu.scan <sum>, %convert_element_type3A_367 masked %cumsum3A_369 : vector<16xi32>, vector<16xi1> -> vector<16xi32>
      %add3A_371 = arith.addi %add3A_360, %cumsum3A_370 : vector<16xi32>
      %le3A_372 = arith.cmpi sle, %add3A_371, %scan3A_198#1 : vector<16xi32>
      %and3A_373 = arith.andi %eq3A_366, %le3A_372 : vector<16xi1>
      %or3A_374 = arith.ori %gt3A_365, %and3A_373 : vector<16xi1>
      %jit3A_375 = arith.constant 0.000000e+00 : f32
      %broadcast_in_dim3A_376 = vector.broadcast %jit3A_375 : f32 to vector<16xf32>
      %select_n3A_377 = arith.select %or3A_374, %get3A_364, %broadcast_in_dim3A_376 : vector<16xi1>, vector<16xf32>
      %swap3A_378 = arith.constant 128 : index
      %swap3A_379 = tpu.vector_load %arg6[%swap3A_378] {strides = array<i32>} : memref<256xf32, #tpu.memory_space<vmem>>, vector<16xf32>,
      tpu.vector_store %arg6[%swap3A_378], %select_n3A_377 {strides = array<i32>} : memref<256xf32, #tpu.memory_space<vmem>>, vector<16xf32>,
      %all_reduce_population_count3A_380 = tpu.all_reduce %eq3A_366 {dim = 0 : i64, kind = #tpu.reduction_kind<sum>} : vector<16xi1> -> vector<16xi32>
      %add3A_381 = arith.addi %add3A_360, %all_reduce_population_count3A_380 : vector<16xi32>
      %get3A_382 = arith.constant 144 : index
      %get3A_383 = tpu.vector_load %arg5[%get3A_382] {strides = array<i32>} : memref<256xi32, #tpu.memory_space<vmem>>, vector<16xi32>,
      %get3A_384 = arith.constant 144 : index
      %get3A_385 = tpu.vector_load %arg4[%get3A_384] {strides = array<i32>} : memref<256xf32, #tpu.memory_space<vmem>>, vector<16xf32>,
      %gt3A_386 = arith.cmpi sgt, %get3A_383, %xor3A_200 : vector<16xi32>
      %eq3A_387 = arith.cmpi eq, %get3A_383, %xor3A_200 : vector<16xi32>
      %convert_element_type3A_388 = arith.extui %eq3A_387 : vector<16xi1> to vector<16xi32>
      %cumsum3A_389 = arith.constant true
      %cumsum3A_390 = vector.broadcast %cumsum3A_389 : i1 to vector<16xi1>
      %cumsum3A_391 = tpu.scan <sum>, %convert_element_type3A_388 masked %cumsum3A_390 : vector<16xi32>, vector<16xi1> -> vector<16xi32>
      %add3A_392 = arith.addi %add3A_381, %cumsum3A_391 : vector<16xi32>
      %le3A_393 = arith.cmpi sle, %add3A_392, %scan3A_198#1 : vector<16xi32>
      %and3A_394 = arith.andi %eq3A_387, %le3A_393 : vector<16xi1>
      %or3A_395 = arith.ori %gt3A_386, %and3A_394 : vector<16xi1>
      %jit3A_396 = arith.constant 0.000000e+00 : f32
      %broadcast_in_dim3A_397 = vector.broadcast %jit3A_396 : f32 to vector<16xf32>
      %select_n3A_398 = arith.select %or3A_395, %get3A_385, %broadcast_in_dim3A_397 : vector<16xi1>, vector<16xf32>
      %swap3A_399 = arith.constant 144 : index
      %swap3A_400 = tpu.vector_load %arg6[%swap3A_399] {strides = array<i32>} : memref<256xf32, #tpu.memory_space<vmem>>, vector<16xf32>,
      tpu.vector_store %arg6[%swap3A_399], %select_n3A_398 {strides = array<i32>} : memref<256xf32, #tpu.memory_space<vmem>>, vector<16xf32>,
      %all_reduce_population_count3A_401 = tpu.all_reduce %eq3A_387 {dim = 0 : i64, kind = #tpu.reduction_kind<sum>} : vector<16xi1> -> vector<16xi32>
      %add3A_402 = arith.addi %add3A_381, %all_reduce_population_count3A_401 : vector<16xi32>
      %get3A_403 = arith.constant 160 : index
      %get3A_404 = tpu.vector_load %arg5[%get3A_403] {strides = array<i32>} : memref<256xi32, #tpu.memory_space<vmem>>, vector<16xi32>,
      %get3A_405 = arith.constant 160 : index
      %get3A_406 = tpu.vector_load %arg4[%get3A_405] {strides = array<i32>} : memref<256xf32, #tpu.memory_space<vmem>>, vector<16xf32>,
      %gt3A_407 = arith.cmpi sgt, %get3A_404, %xor3A_200 : vector<16xi32>
      %eq3A_408 = arith.cmpi eq, %get3A_404, %xor3A_200 : vector<16xi32>
      %convert_element_type3A_409 = arith.extui %eq3A_408 : vector<16xi1> to vector<16xi32>
      %cumsum3A_410 = arith.constant true
      %cumsum3A_411 = vector.broadcast %cumsum3A_410 : i1 to vector<16xi1>
      %cumsum3A_412 = tpu.scan <sum>, %convert_element_type3A_409 masked %cumsum3A_411 : vector<16xi32>, vector<16xi1> -> vector<16xi32>
      %add3A_413 = arith.addi %add3A_402, %cumsum3A_412 : vector<16xi32>
      %le3A_414 = arith.cmpi sle, %add3A_413, %scan3A_198#1 : vector<16xi32>
      %and3A_415 = arith.andi %eq3A_408, %le3A_414 : vector<16xi1>
      %or3A_416 = arith.ori %gt3A_407, %and3A_415 : vector<16xi1>
      %jit3A_417 = arith.constant 0.000000e+00 : f32
      %broadcast_in_dim3A_418 = vector.broadcast %jit3A_417 : f32 to vector<16xf32>
      %select_n3A_419 = arith.select %or3A_416, %get3A_406, %broadcast_in_dim3A_418 : vector<16xi1>, vector<16xf32>
      %swap3A_420 = arith.constant 160 : index
      %swap3A_421 = tpu.vector_load %arg6[%swap3A_420] {strides = array<i32>} : memref<256xf32, #tpu.memory_space<vmem>>, vector<16xf32>,
      tpu.vector_store %arg6[%swap3A_420], %select_n3A_419 {strides = array<i32>} : memref<256xf32, #tpu.memory_space<vmem>>, vector<16xf32>,
      %all_reduce_population_count3A_422 = tpu.all_reduce %eq3A_408 {dim = 0 : i64, kind = #tpu.reduction_kind<sum>} : vector<16xi1> -> vector<16xi32>
      %add3A_423 = arith.addi %add3A_402, %all_reduce_population_count3A_422 : vector<16xi32>
      %get3A_424 = arith.constant 176 : index
      %get3A_425 = tpu.vector_load %arg5[%get3A_424] {strides = array<i32>} : memref<256xi32, #tpu.memory_space<vmem>>, vector<16xi32>,
      %get3A_426 = arith.constant 176 : index
      %get3A_427 = tpu.vector_load %arg4[%get3A_426] {strides = array<i32>} : memref<256xf32, #tpu.memory_space<vmem>>, vector<16xf32>,
      %gt3A_428 = arith.cmpi sgt, %get3A_425, %xor3A_200 : vector<16xi32>
      %eq3A_429 = arith.cmpi eq, %get3A_425, %xor3A_200 : vector<16xi32>
      %convert_element_type3A_430 = arith.extui %eq3A_429 : vector<16xi1> to vector<16xi32>
      %cumsum3A_431 = arith.constant true
      %cumsum3A_432 = vector.broadcast %cumsum3A_431 : i1 to vector<16xi1>
      %cumsum3A_433 = tpu.scan <sum>, %convert_element_type3A_430 masked %cumsum3A_432 : vector<16xi32>, vector<16xi1> -> vector<16xi32>
      %add3A_434 = arith.addi %add3A_423, %cumsum3A_433 : vector<16xi32>
      %le3A_435 = arith.cmpi sle, %add3A_434, %scan3A_198#1 : vector<16xi32>
      %and3A_436 = arith.andi %eq3A_429, %le3A_435 : vector<16xi1>
      %or3A_437 = arith.ori %gt3A_428, %and3A_436 : vector<16xi1>
      %jit3A_438 = arith.constant 0.000000e+00 : f32
      %broadcast_in_dim3A_439 = vector.broadcast %jit3A_438 : f32 to vector<16xf32>
      %select_n3A_440 = arith.select %or3A_437, %get3A_427, %broadcast_in_dim3A_439 : vector<16xi1>, vector<16xf32>
      %swap3A_441 = arith.constant 176 : index
      %swap3A_442 = tpu.vector_load %arg6[%swap3A_441] {strides = array<i32>} : memref<256xf32, #tpu.memory_space<vmem>>, vector<16xf32>,
      tpu.vector_store %arg6[%swap3A_441], %select_n3A_440 {strides = array<i32>} : memref<256xf32, #tpu.memory_space<vmem>>, vector<16xf32>,
      %all_reduce_population_count3A_443 = tpu.all_reduce %eq3A_429 {dim = 0 : i64, kind = #tpu.reduction_kind<sum>} : vector<16xi1> -> vector<16xi32>
      %add3A_444 = arith.addi %add3A_423, %all_reduce_population_count3A_443 : vector<16xi32>
      %get3A_445 = arith.constant 192 : index
      %get3A_446 = tpu.vector_load %arg5[%get3A_445] {strides = array<i32>} : memref<256xi32, #tpu.memory_space<vmem>>, vector<16xi32>,
      %get3A_447 = arith.constant 192 : index
      %get3A_448 = tpu.vector_load %arg4[%get3A_447] {strides = array<i32>} : memref<256xf32, #tpu.memory_space<vmem>>, vector<16xf32>,
      %gt3A_449 = arith.cmpi sgt, %get3A_446, %xor3A_200 : vector<16xi32>
      %eq3A_450 = arith.cmpi eq, %get3A_446, %xor3A_200 : vector<16xi32>
      %convert_element_type3A_451 = arith.extui %eq3A_450 : vector<16xi1> to vector<16xi32>
      %cumsum3A_452 = arith.constant true
      %cumsum3A_453 = vector.broadcast %cumsum3A_452 : i1 to vector<16xi1>
      %cumsum3A_454 = tpu.scan <sum>, %convert_element_type3A_451 masked %cumsum3A_453 : vector<16xi32>, vector<16xi1> -> vector<16xi32>
      %add3A_455 = arith.addi %add3A_444, %cumsum3A_454 : vector<16xi32>
      %le3A_456 = arith.cmpi sle, %add3A_455, %scan3A_198#1 : vector<16xi32>
      %and3A_457 = arith.andi %eq3A_450, %le3A_456 : vector<16xi1>
      %or3A_458 = arith.ori %gt3A_449, %and3A_457 : vector<16xi1>
      %jit3A_459 = arith.constant 0.000000e+00 : f32
      %broadcast_in_dim3A_460 = vector.broadcast %jit3A_459 : f32 to vector<16xf32>
      %select_n3A_461 = arith.select %or3A_458, %get3A_448, %broadcast_in_dim3A_460 : vector<16xi1>, vector<16xf32>
      %swap3A_462 = arith.constant 192 : index
      %swap3A_463 = tpu.vector_load %arg6[%swap3A_462] {strides = array<i32>} : memref<256xf32, #tpu.memory_space<vmem>>, vector<16xf32>,
      tpu.vector_store %arg6[%swap3A_462], %select_n3A_461 {strides = array<i32>} : memref<256xf32, #tpu.memory_space<vmem>>, vector<16xf32>,
      %all_reduce_population_count3A_464 = tpu.all_reduce %eq3A_450 {dim = 0 : i64, kind = #tpu.reduction_kind<sum>} : vector<16xi1> -> vector<16xi32>
      %add3A_465 = arith.addi %add3A_444, %all_reduce_population_count3A_464 : vector<16xi32>
      %get3A_466 = arith.constant 208 : index
      %get3A_467 = tpu.vector_load %arg5[%get3A_466] {strides = array<i32>} : memref<256xi32, #tpu.memory_space<vmem>>, vector<16xi32>,
      %get3A_468 = arith.constant 208 : index
      %get3A_469 = tpu.vector_load %arg4[%get3A_468] {strides = array<i32>} : memref<256xf32, #tpu.memory_space<vmem>>, vector<16xf32>,
      %gt3A_470 = arith.cmpi sgt, %get3A_467, %xor3A_200 : vector<16xi32>
      %eq3A_471 = arith.cmpi eq, %get3A_467, %xor3A_200 : vector<16xi32>
      %convert_element_type3A_472 = arith.extui %eq3A_471 : vector<16xi1> to vector<16xi32>
      %cumsum3A_473 = arith.constant true
      %cumsum3A_474 = vector.broadcast %cumsum3A_473 : i1 to vector<16xi1>
      %cumsum3A_475 = tpu.scan <sum>, %convert_element_type3A_472 masked %cumsum3A_474 : vector<16xi32>, vector<16xi1> -> vector<16xi32>
      %add3A_476 = arith.addi %add3A_465, %cumsum3A_475 : vector<16xi32>
      %le3A_477 = arith.cmpi sle, %add3A_476, %scan3A_198#1 : vector<16xi32>
      %and3A_478 = arith.andi %eq3A_471, %le3A_477 : vector<16xi1>
      %or3A_479 = arith.ori %gt3A_470, %and3A_478 : vector<16xi1>
      %jit3A_480 = arith.constant 0.000000e+00 : f32
      %broadcast_in_dim3A_481 = vector.broadcast %jit3A_480 : f32 to vector<16xf32>
      %select_n3A_482 = arith.select %or3A_479, %get3A_469, %broadcast_in_dim3A_481 : vector<16xi1>, vector<16xf32>
      %swap3A_483 = arith.constant 208 : index
      %swap3A_484 = tpu.vector_load %arg6[%swap3A_483] {strides = array<i32>} : memref<256xf32, #tpu.memory_space<vmem>>, vector<16xf32>,
      tpu.vector_store %arg6[%swap3A_483], %select_n3A_482 {strides = array<i32>} : memref<256xf32, #tpu.memory_space<vmem>>, vector<16xf32>,
      %all_reduce_population_count3A_485 = tpu.all_reduce %eq3A_471 {dim = 0 : i64, kind = #tpu.reduction_kind<sum>} : vector<16xi1> -> vector<16xi32>
      %add3A_486 = arith.addi %add3A_465, %all_reduce_population_count3A_485 : vector<16xi32>
      %get3A_487 = arith.constant 224 : index
      %get3A_488 = tpu.vector_load %arg5[%get3A_487] {strides = array<i32>} : memref<256xi32, #tpu.memory_space<vmem>>, vector<16xi32>,
      %get3A_489 = arith.constant 224 : index
      %get3A_490 = tpu.vector_load %arg4[%get3A_489] {strides = array<i32>} : memref<256xf32, #tpu.memory_space<vmem>>, vector<16xf32>,
      %gt3A_491 = arith.cmpi sgt, %get3A_488, %xor3A_200 : vector<16xi32>
      %eq3A_492 = arith.cmpi eq, %get3A_488, %xor3A_200 : vector<16xi32>
      %convert_element_type3A_493 = arith.extui %eq3A_492 : vector<16xi1> to vector<16xi32>
      %cumsum3A_494 = arith.constant true
      %cumsum3A_495 = vector.broadcast %cumsum3A_494 : i1 to vector<16xi1>
      %cumsum3A_496 = tpu.scan <sum>, %convert_element_type3A_493 masked %cumsum3A_495 : vector<16xi32>, vector<16xi1> -> vector<16xi32>
      %add3A_497 = arith.addi %add3A_486, %cumsum3A_496 : vector<16xi32>
      %le3A_498 = arith.cmpi sle, %add3A_497, %scan3A_198#1 : vector<16xi32>
      %and3A_499 = arith.andi %eq3A_492, %le3A_498 : vector<16xi1>
      %or3A_500 = arith.ori %gt3A_491, %and3A_499 : vector<16xi1>
      %jit3A_501 = arith.constant 0.000000e+00 : f32
      %broadcast_in_dim3A_502 = vector.broadcast %jit3A_501 : f32 to vector<16xf32>
      %select_n3A_503 = arith.select %or3A_500, %get3A_490, %broadcast_in_dim3A_502 : vector<16xi1>, vector<16xf32>
      %swap3A_504 = arith.constant 224 : index
      %swap3A_505 = tpu.vector_load %arg6[%swap3A_504] {strides = array<i32>} : memref<256xf32, #tpu.memory_space<vmem>>, vector<16xf32>,
      tpu.vector_store %arg6[%swap3A_504], %select_n3A_503 {strides = array<i32>} : memref<256xf32, #tpu.memory_space<vmem>>, vector<16xf32>,
      %all_reduce_population_count3A_506 = tpu.all_reduce %eq3A_492 {dim = 0 : i64, kind = #tpu.reduction_kind<sum>} : vector<16xi1> -> vector<16xi32>
      %add3A_507 = arith.addi %add3A_486, %all_reduce_population_count3A_506 : vector<16xi32>
      %get3A_508 = arith.constant 240 : index
      %get3A_509 = tpu.vector_load %arg5[%get3A_508] {strides = array<i32>} : memref<256xi32, #tpu.memory_space<vmem>>, vector<16xi32>,
      %get3A_510 = arith.constant 240 : index
      %get3A_511 = tpu.vector_load %arg4[%get3A_510] {strides = array<i32>} : memref<256xf32, #tpu.memory_space<vmem>>, vector<16xf32>,
      %gt3A_512 = arith.cmpi sgt, %get3A_509, %xor3A_200 : vector<16xi32>
      %eq3A_513 = arith.cmpi eq, %get3A_509, %xor3A_200 : vector<16xi32>
      %convert_element_type3A_514 = arith.extui %eq3A_513 : vector<16xi1> to vector<16xi32>
      %cumsum3A_515 = arith.constant true
      %cumsum3A_516 = vector.broadcast %cumsum3A_515 : i1 to vector<16xi1>
      %cumsum3A_517 = tpu.scan <sum>, %convert_element_type3A_514 masked %cumsum3A_516 : vector<16xi32>, vector<16xi1> -> vector<16xi32>
      %add3A_518 = arith.addi %add3A_507, %cumsum3A_517 : vector<16xi32>
      %le3A_519 = arith.cmpi sle, %add3A_518, %scan3A_198#1 : vector<16xi32>
      %and3A_520 = arith.andi %eq3A_513, %le3A_519 : vector<16xi1>
      %or3A_521 = arith.ori %gt3A_512, %and3A_520 : vector<16xi1>
      %jit3A_522 = arith.constant 0.000000e+00 : f32
      %broadcast_in_dim3A_523 = vector.broadcast %jit3A_522 : f32 to vector<16xf32>
      %select_n3A_524 = arith.select %or3A_521, %get3A_511, %broadcast_in_dim3A_523 : vector<16xi1>, vector<16xf32>
      %swap3A_525 = arith.constant 240 : index
      %swap3A_526 = tpu.vector_load %arg6[%swap3A_525] {strides = array<i32>} : memref<256xf32, #tpu.memory_space<vmem>>, vector<16xf32>,
      tpu.vector_store %arg6[%swap3A_525], %select_n3A_524 {strides = array<i32>} : memref<256xf32, #tpu.memory_space<vmem>>, vector<16xf32>,
      %all_reduce_population_count3A_527 = tpu.all_reduce %eq3A_513 {dim = 0 : i64, kind = #tpu.reduction_kind<sum>} : vector<16xi1> -> vector<16xi32>
      %add3A_528 = arith.addi %add3A_507, %all_reduce_population_count3A_527 : vector<16xi32>
      "tpu.region"() ({
        %run_scoped3A = tpu.sem_alloc : memref<!tpu.dma_semaphore, #tpu.memory_space<semaphore_mem>>
        %dma_start3A = arith.constant 0 : i32
        %dma_start3A_529 = tpu.memref_slice %arg3[%add3A, %dma_start3A] : memref<20x256xf32, #tpu.memory_space<hbm>> -> memref<1x256xf32, #tpu.memory_space<hbm>>
        %dma_start3A_530 = tpu.memref_squeeze %dma_start3A_529 : memref<1x256xf32, #tpu.memory_space<hbm>> -> memref<256xf32, #tpu.memory_space<hbm>>
        %dma_start3A_531 = arith.constant 0 : i32
        %dma_start3A_532 = tpu.memref_slice %arg3[%add3A, %dma_start3A_531] : memref<20x256xf32, #tpu.memory_space<hbm>> -> memref<1x256xf32, #tpu.memory_space<hbm>>
        %dma_start3A_533 = tpu.memref_squeeze %dma_start3A_532 : memref<1x256xf32, #tpu.memory_space<hbm>> -> memref<256xf32, #tpu.memory_space<hbm>>
        tpu.enqueue_dma source(%arg6 : memref<256xf32, #tpu.memory_space<vmem>>) target(%dma_start3A_533 : memref<256xf32, #tpu.memory_space<hbm>>) target_semaphore(%run_scoped3A : memref<!tpu.dma_semaphore, #tpu.memory_space<semaphore_mem>>)
        %dma_wait3A = arith.constant 0 : i32
        %dma_wait3A_534 = tpu.memref_slice %arg3[%add3A, %dma_wait3A] : memref<20x256xf32, #tpu.memory_space<hbm>> -> memref<1x256xf32, #tpu.memory_space<hbm>>
        %dma_wait3A_535 = tpu.memref_squeeze %dma_wait3A_534 : memref<1x256xf32, #tpu.memory_space<hbm>> -> memref<256xf32, #tpu.memory_space<hbm>>
        %dma_wait3A_536 = arith.constant 0 : i32
        %dma_wait3A_537 = tpu.memref_slice %arg3[%add3A, %dma_wait3A_536] : memref<20x256xf32, #tpu.memory_space<hbm>> -> memref<1x256xf32, #tpu.memory_space<hbm>>
        %dma_wait3A_538 = tpu.memref_squeeze %dma_wait3A_537 : memref<1x256xf32, #tpu.memory_space<hbm>> -> memref<256xf32, #tpu.memory_space<hbm>>
        tpu.wait_dma2 semaphore(%run_scoped3A : memref<!tpu.dma_semaphore, #tpu.memory_space<semaphore_mem>>) src(%arg6 : memref<256xf32, #tpu.memory_space<vmem>>) dst(%dma_wait3A_538 : memref<256xf32, #tpu.memory_space<hbm>>)
        tpu.yield
      }) : () -> ()
    } else {
    }
    return
  }
}

module attributes {stable_mosaic.version = 14 : i64} {
  func.func @_scores_body(%arg0: i32, %arg1: memref<5x1x256xf32, #tpu.memory_space<vmem>>, %arg2: memref<5x198x1xf32, #tpu.memory_space<vmem>>, %arg3: memref<5x198x256xf32, #tpu.memory_space<vmem>>, %arg4: memref<256x256xf32, #tpu.memory_space<vmem>>, %arg5: memref<1x256xf32, #tpu.memory_space<vmem>>, %arg6: memref<256x256xf32, #tpu.memory_space<vmem>>, %arg7: memref<1x256xf32, #tpu.memory_space<vmem>>, %arg8: memref<1x256xf32, #tpu.memory_space<vmem>>, %arg9: memref<1x1xf32, #tpu.memory_space<vmem>>, %arg10: memref<198x198xf32, #tpu.memory_space<vmem>>, %arg11: memref<1x256xf32, #tpu.memory_space<vmem>>, %arg12: memref<5x1x256xf32, #tpu.memory_space<vmem>>) attributes {dimension_semantics = [#tpu.dimension_semantics<arbitrary>], iteration_bounds = array<i64: 4>, scalar_prefetch = 0 : i64, scratch_operands = 0 : i64, tpu.core_type = #tpu.core_type<tc>, window_params = [{transform_indices = @transform_0, window_bounds = array<i64: 5, 1, 256>}, {transform_indices = @transform_1, window_bounds = array<i64: 5, 198, 1>}, {transform_indices = @transform_2, window_bounds = array<i64: 5, 198, 256>}, {pipeline_mode = #tpu.pipeline_mode<synchronous>, transform_indices = @transform_3, window_bounds = array<i64: 256, 256>}, {pipeline_mode = #tpu.pipeline_mode<synchronous>, transform_indices = @transform_4, window_bounds = array<i64: 1, 256>}, {pipeline_mode = #tpu.pipeline_mode<synchronous>, transform_indices = @transform_5, window_bounds = array<i64: 256, 256>}, {pipeline_mode = #tpu.pipeline_mode<synchronous>, transform_indices = @transform_6, window_bounds = array<i64: 1, 256>}, {pipeline_mode = #tpu.pipeline_mode<synchronous>, transform_indices = @transform_7, window_bounds = array<i64: 1, 256>}, {pipeline_mode = #tpu.pipeline_mode<synchronous>, transform_indices = @transform_8, window_bounds = array<i64: 1, 1>}, {pipeline_mode = #tpu.pipeline_mode<synchronous>, transform_indices = @transform_9, window_bounds = array<i64: 198, 198>}, {pipeline_mode = #tpu.pipeline_mode<synchronous>, transform_indices = @transform_10, window_bounds = array<i64: 1, 256>}, {transform_indices = @transform_11, window_bounds = array<i64: 5, 1, 256>}]} {
    %broadcast_in_dim3A = arith.constant 0xFF800000 : f32
    %broadcast_in_dim3A_0 = vector.broadcast %broadcast_in_dim3A : f32 to vector<1x58xf32>
    %get3A = arith.constant 0 : index
    %get3A_1 = arith.constant 0 : index
    %get3A_2 = arith.constant 0 : index
    %get3A_3 = vector.load %arg3[%get3A, %get3A_1, %get3A_2] : memref<5x198x256xf32, #tpu.memory_space<vmem>>, vector<1x198x256xf32>
    %get3A_4 = vector.shape_cast %get3A_3 : vector<1x198x256xf32> to vector<198x256xf32>
    %get3A_5 = arith.constant 0 : index
    %get3A_6 = arith.constant 0 : index
    %get3A_7 = vector.load %arg4[%get3A_5, %get3A_6] : memref<256x256xf32, #tpu.memory_space<vmem>>, vector<256x256xf32>
    %dot_general3A = arith.constant dense<0.000000e+00> : vector<198x256xf32>
    %dot_general3A_8 = tpu.matmul %get3A_4, %get3A_7, %dot_general3A {dimension_numbers = #tpu.dot_dimension_numbers<[1], [1], [0], [0], [0, 0, 1, 0], [], []>, transpose_lhs_hint = false} : vector<198x256xf32>, vector<256x256xf32>, vector<198x256xf32> -> vector<198x256xf32>
    %get3A_9 = arith.constant 0 : index
    %get3A_10 = arith.constant 0 : index
    %get3A_11 = arith.constant 0 : index
    %get3A_12 = vector.load %arg1[%get3A_9, %get3A_10, %get3A_11] : memref<5x1x256xf32, #tpu.memory_space<vmem>>, vector<1x1x256xf32>
    %get3A_13 = vector.shape_cast %get3A_12 : vector<1x1x256xf32> to vector<1x256xf32>
    %get3A_14 = arith.constant 0 : index
    %get3A_15 = arith.constant 0 : index
    %get3A_16 = vector.load %arg6[%get3A_14, %get3A_15] : memref<256x256xf32, #tpu.memory_space<vmem>>, vector<256x256xf32>
    %dot_general3A_17 = arith.constant dense<0.000000e+00> : vector<1x256xf32>
    %dot_general3A_18 = tpu.matmul %get3A_13, %get3A_16, %dot_general3A_17 {dimension_numbers = #tpu.dot_dimension_numbers<[1], [1], [0], [0], [0, 0, 1, 0], [], []>, transpose_lhs_hint = false} : vector<1x256xf32>, vector<256x256xf32>, vector<1x256xf32> -> vector<1x256xf32>
    %get3A_19 = arith.constant 0 : index
    %get3A_20 = arith.constant 0 : index
    %get3A_21 = vector.load %arg7[%get3A_19, %get3A_20] : memref<1x256xf32, #tpu.memory_space<vmem>>, vector<1x256xf32>
    %add3A = arith.addf %dot_general3A_18, %get3A_21 : vector<1x256xf32>
    %get3A_22 = arith.constant 0 : index
    %get3A_23 = arith.constant 0 : index
    %get3A_24 = arith.constant 0 : index
    %get3A_25 = vector.load %arg2[%get3A_22, %get3A_23, %get3A_24] : memref<5x198x1xf32, #tpu.memory_space<vmem>>, vector<1x198x1xf32>
    %get3A_26 = vector.shape_cast %get3A_25 : vector<1x198x1xf32> to vector<198x1xf32>
    %get3A_27 = arith.constant 0 : index
    %get3A_28 = arith.constant 0 : index
    %get3A_29 = vector.load %arg10[%get3A_27, %get3A_28] : memref<198x198xf32, #tpu.memory_space<vmem>>, vector<198x198xf32>
    %dot_general3A_30 = arith.constant dense<0.000000e+00> : vector<198x1xf32>
    %dot_general3A_31 = tpu.matmul %get3A_29, %get3A_26, %dot_general3A_30 {dimension_numbers = #tpu.dot_dimension_numbers<[1], [0], [0], [1], [0, 0, 1, 1], [], []>, transpose_lhs_hint = false} : vector<198x198xf32>, vector<198x1xf32>, vector<198x1xf32> -> vector<198x1xf32>
    %get3A_32 = arith.constant 0 : index
    %get3A_33 = arith.constant 0 : index
    %get3A_34 = vector.load %arg11[%get3A_32, %get3A_33] : memref<1x256xf32, #tpu.memory_space<vmem>>, vector<1x256xf32>
    %mul3A = vector.broadcast %dot_general3A_31 : vector<198x1xf32> to vector<198x256xf32>
    %mul3A_35 = vector.broadcast %get3A_34 : vector<1x256xf32> to vector<198x256xf32>
    %mul3A_36 = arith.mulf %mul3A, %mul3A_35 : vector<198x256xf32>
    %get3A_37 = arith.constant 0 : index
    %get3A_38 = arith.constant 0 : index
    %get3A_39 = vector.load %arg5[%get3A_37, %get3A_38] : memref<1x256xf32, #tpu.memory_space<vmem>>, vector<1x256xf32>
    %add3A_40 = vector.broadcast %get3A_39 : vector<1x256xf32> to vector<198x256xf32>
    %add3A_41 = arith.addf %dot_general3A_8, %add3A_40 : vector<198x256xf32>
    %add3A_42 = vector.broadcast %add3A : vector<1x256xf32> to vector<198x256xf32>
    %add3A_43 = arith.addf %add3A_41, %add3A_42 : vector<198x256xf32>
    %add3A_44 = arith.addf %add3A_43, %mul3A_36 : vector<198x256xf32>
    %tanh3A = math.tanh %add3A_44 : vector<198x256xf32>
    %get3A_45 = arith.constant 0 : index
    %get3A_46 = arith.constant 0 : index
    %get3A_47 = vector.load %arg8[%get3A_45, %get3A_46] : memref<1x256xf32, #tpu.memory_space<vmem>>, vector<1x256xf32>
    %dot_general3A_48 = arith.constant dense<0.000000e+00> : vector<1x198xf32>
    %dot_general3A_49 = tpu.matmul %get3A_47, %tanh3A, %dot_general3A_48 {dimension_numbers = #tpu.dot_dimension_numbers<[1], [1], [0], [0], [0, 0, 1, 0], [], []>, transpose_lhs_hint = false} : vector<1x256xf32>, vector<198x256xf32>, vector<1x198xf32> -> vector<1x198xf32>
    %get3A_50 = arith.constant 0 : index
    %get3A_51 = arith.constant 0 : index
    %get3A_52 = vector.load %arg9[%get3A_50, %get3A_51] : memref<1x1xf32, #tpu.memory_space<vmem>>, vector<1x1xf32>
    %add3A_53 = vector.broadcast %get3A_52 : vector<1x1xf32> to vector<1x198xf32>
    %add3A_54 = arith.addf %dot_general3A_49, %add3A_53 : vector<1x198xf32>
    %concatenate3A = tpu.concatenate %add3A_54, %broadcast_in_dim3A_0 in 1 : vector<1x198xf32>, vector<1x58xf32> -> vector<1x256xf32>
    %swap3A = arith.constant 0 : index
    %swap3A_55 = arith.constant 0 : index
    %swap3A_56 = arith.constant 0 : index
    %swap3A_57 = vector.load %arg12[%swap3A, %swap3A_55, %swap3A_56] : memref<5x1x256xf32, #tpu.memory_space<vmem>>, vector<1x1x256xf32>
    %swap3A_58 = vector.shape_cast %swap3A_57 : vector<1x1x256xf32> to vector<1x256xf32>
    %swap3A_59 = vector.shape_cast %concatenate3A : vector<1x256xf32> to vector<1x1x256xf32>
    tpu.vector_store %arg12[%swap3A, %swap3A_55, %swap3A_56], %swap3A_59 {strides = array<i32>} : memref<5x1x256xf32, #tpu.memory_space<vmem>>, vector<1x1x256xf32>,
    %get3A_60 = arith.constant 1 : index
    %get3A_61 = arith.constant 0 : index
    %get3A_62 = arith.constant 0 : index
    %get3A_63 = vector.load %arg3[%get3A_60, %get3A_61, %get3A_62] : memref<5x198x256xf32, #tpu.memory_space<vmem>>, vector<1x198x256xf32>
    %get3A_64 = vector.shape_cast %get3A_63 : vector<1x198x256xf32> to vector<198x256xf32>
    %get3A_65 = arith.constant 0 : index
    %get3A_66 = arith.constant 0 : index
    %get3A_67 = vector.load %arg4[%get3A_65, %get3A_66] : memref<256x256xf32, #tpu.memory_space<vmem>>, vector<256x256xf32>
    %dot_general3A_68 = arith.constant dense<0.000000e+00> : vector<198x256xf32>
    %dot_general3A_69 = tpu.matmul %get3A_64, %get3A_67, %dot_general3A_68 {dimension_numbers = #tpu.dot_dimension_numbers<[1], [1], [0], [0], [0, 0, 1, 0], [], []>, transpose_lhs_hint = false} : vector<198x256xf32>, vector<256x256xf32>, vector<198x256xf32> -> vector<198x256xf32>
    %get3A_70 = arith.constant 1 : index
    %get3A_71 = arith.constant 0 : index
    %get3A_72 = arith.constant 0 : index
    %get3A_73 = vector.load %arg1[%get3A_70, %get3A_71, %get3A_72] : memref<5x1x256xf32, #tpu.memory_space<vmem>>, vector<1x1x256xf32>
    %get3A_74 = vector.shape_cast %get3A_73 : vector<1x1x256xf32> to vector<1x256xf32>
    %get3A_75 = arith.constant 0 : index
    %get3A_76 = arith.constant 0 : index
    %get3A_77 = vector.load %arg6[%get3A_75, %get3A_76] : memref<256x256xf32, #tpu.memory_space<vmem>>, vector<256x256xf32>
    %dot_general3A_78 = arith.constant dense<0.000000e+00> : vector<1x256xf32>
    %dot_general3A_79 = tpu.matmul %get3A_74, %get3A_77, %dot_general3A_78 {dimension_numbers = #tpu.dot_dimension_numbers<[1], [1], [0], [0], [0, 0, 1, 0], [], []>, transpose_lhs_hint = false} : vector<1x256xf32>, vector<256x256xf32>, vector<1x256xf32> -> vector<1x256xf32>
    %get3A_80 = arith.constant 0 : index
    %get3A_81 = arith.constant 0 : index
    %get3A_82 = vector.load %arg7[%get3A_80, %get3A_81] : memref<1x256xf32, #tpu.memory_space<vmem>>, vector<1x256xf32>
    %add3A_83 = arith.addf %dot_general3A_79, %get3A_82 : vector<1x256xf32>
    %get3A_84 = arith.constant 1 : index
    %get3A_85 = arith.constant 0 : index
    %get3A_86 = arith.constant 0 : index
    %get3A_87 = vector.load %arg2[%get3A_84, %get3A_85, %get3A_86] : memref<5x198x1xf32, #tpu.memory_space<vmem>>, vector<1x198x1xf32>
    %get3A_88 = vector.shape_cast %get3A_87 : vector<1x198x1xf32> to vector<198x1xf32>
    %get3A_89 = arith.constant 0 : index
    %get3A_90 = arith.constant 0 : index
    %get3A_91 = vector.load %arg10[%get3A_89, %get3A_90] : memref<198x198xf32, #tpu.memory_space<vmem>>, vector<198x198xf32>
    %dot_general3A_92 = arith.constant dense<0.000000e+00> : vector<198x1xf32>
    %dot_general3A_93 = tpu.matmul %get3A_91, %get3A_88, %dot_general3A_92 {dimension_numbers = #tpu.dot_dimension_numbers<[1], [0], [0], [1], [0, 0, 1, 1], [], []>, transpose_lhs_hint = false} : vector<198x198xf32>, vector<198x1xf32>, vector<198x1xf32> -> vector<198x1xf32>
    %get3A_94 = arith.constant 0 : index
    %get3A_95 = arith.constant 0 : index
    %get3A_96 = vector.load %arg11[%get3A_94, %get3A_95] : memref<1x256xf32, #tpu.memory_space<vmem>>, vector<1x256xf32>
    %mul3A_97 = vector.broadcast %dot_general3A_93 : vector<198x1xf32> to vector<198x256xf32>
    %mul3A_98 = vector.broadcast %get3A_96 : vector<1x256xf32> to vector<198x256xf32>
    %mul3A_99 = arith.mulf %mul3A_97, %mul3A_98 : vector<198x256xf32>
    %get3A_100 = arith.constant 0 : index
    %get3A_101 = arith.constant 0 : index
    %get3A_102 = vector.load %arg5[%get3A_100, %get3A_101] : memref<1x256xf32, #tpu.memory_space<vmem>>, vector<1x256xf32>
    %add3A_103 = vector.broadcast %get3A_102 : vector<1x256xf32> to vector<198x256xf32>
    %add3A_104 = arith.addf %dot_general3A_69, %add3A_103 : vector<198x256xf32>
    %add3A_105 = vector.broadcast %add3A_83 : vector<1x256xf32> to vector<198x256xf32>
    %add3A_106 = arith.addf %add3A_104, %add3A_105 : vector<198x256xf32>
    %add3A_107 = arith.addf %add3A_106, %mul3A_99 : vector<198x256xf32>
    %tanh3A_108 = math.tanh %add3A_107 : vector<198x256xf32>
    %get3A_109 = arith.constant 0 : index
    %get3A_110 = arith.constant 0 : index
    %get3A_111 = vector.load %arg8[%get3A_109, %get3A_110] : memref<1x256xf32, #tpu.memory_space<vmem>>, vector<1x256xf32>
    %dot_general3A_112 = arith.constant dense<0.000000e+00> : vector<1x198xf32>
    %dot_general3A_113 = tpu.matmul %get3A_111, %tanh3A_108, %dot_general3A_112 {dimension_numbers = #tpu.dot_dimension_numbers<[1], [1], [0], [0], [0, 0, 1, 0], [], []>, transpose_lhs_hint = false} : vector<1x256xf32>, vector<198x256xf32>, vector<1x198xf32> -> vector<1x198xf32>
    %get3A_114 = arith.constant 0 : index
    %get3A_115 = arith.constant 0 : index
    %get3A_116 = vector.load %arg9[%get3A_114, %get3A_115] : memref<1x1xf32, #tpu.memory_space<vmem>>, vector<1x1xf32>
    %add3A_117 = vector.broadcast %get3A_116 : vector<1x1xf32> to vector<1x198xf32>
    %add3A_118 = arith.addf %dot_general3A_113, %add3A_117 : vector<1x198xf32>
    %concatenate3A_119 = tpu.concatenate %add3A_118, %broadcast_in_dim3A_0 in 1 : vector<1x198xf32>, vector<1x58xf32> -> vector<1x256xf32>
    %swap3A_120 = arith.constant 1 : index
    %swap3A_121 = arith.constant 0 : index
    %swap3A_122 = arith.constant 0 : index
    %swap3A_123 = vector.load %arg12[%swap3A_120, %swap3A_121, %swap3A_122] : memref<5x1x256xf32, #tpu.memory_space<vmem>>, vector<1x1x256xf32>
    %swap3A_124 = vector.shape_cast %swap3A_123 : vector<1x1x256xf32> to vector<1x256xf32>
    %swap3A_125 = vector.shape_cast %concatenate3A_119 : vector<1x256xf32> to vector<1x1x256xf32>
    tpu.vector_store %arg12[%swap3A_120, %swap3A_121, %swap3A_122], %swap3A_125 {strides = array<i32>} : memref<5x1x256xf32, #tpu.memory_space<vmem>>, vector<1x1x256xf32>,
    %get3A_126 = arith.constant 2 : index
    %get3A_127 = arith.constant 0 : index
    %get3A_128 = arith.constant 0 : index
    %get3A_129 = vector.load %arg3[%get3A_126, %get3A_127, %get3A_128] : memref<5x198x256xf32, #tpu.memory_space<vmem>>, vector<1x198x256xf32>
    %get3A_130 = vector.shape_cast %get3A_129 : vector<1x198x256xf32> to vector<198x256xf32>
    %get3A_131 = arith.constant 0 : index
    %get3A_132 = arith.constant 0 : index
    %get3A_133 = vector.load %arg4[%get3A_131, %get3A_132] : memref<256x256xf32, #tpu.memory_space<vmem>>, vector<256x256xf32>
    %dot_general3A_134 = arith.constant dense<0.000000e+00> : vector<198x256xf32>
    %dot_general3A_135 = tpu.matmul %get3A_130, %get3A_133, %dot_general3A_134 {dimension_numbers = #tpu.dot_dimension_numbers<[1], [1], [0], [0], [0, 0, 1, 0], [], []>, transpose_lhs_hint = false} : vector<198x256xf32>, vector<256x256xf32>, vector<198x256xf32> -> vector<198x256xf32>
    %get3A_136 = arith.constant 2 : index
    %get3A_137 = arith.constant 0 : index
    %get3A_138 = arith.constant 0 : index
    %get3A_139 = vector.load %arg1[%get3A_136, %get3A_137, %get3A_138] : memref<5x1x256xf32, #tpu.memory_space<vmem>>, vector<1x1x256xf32>
    %get3A_140 = vector.shape_cast %get3A_139 : vector<1x1x256xf32> to vector<1x256xf32>
    %get3A_141 = arith.constant 0 : index
    %get3A_142 = arith.constant 0 : index
    %get3A_143 = vector.load %arg6[%get3A_141, %get3A_142] : memref<256x256xf32, #tpu.memory_space<vmem>>, vector<256x256xf32>
    %dot_general3A_144 = arith.constant dense<0.000000e+00> : vector<1x256xf32>
    %dot_general3A_145 = tpu.matmul %get3A_140, %get3A_143, %dot_general3A_144 {dimension_numbers = #tpu.dot_dimension_numbers<[1], [1], [0], [0], [0, 0, 1, 0], [], []>, transpose_lhs_hint = false} : vector<1x256xf32>, vector<256x256xf32>, vector<1x256xf32> -> vector<1x256xf32>
    %get3A_146 = arith.constant 0 : index
    %get3A_147 = arith.constant 0 : index
    %get3A_148 = vector.load %arg7[%get3A_146, %get3A_147] : memref<1x256xf32, #tpu.memory_space<vmem>>, vector<1x256xf32>
    %add3A_149 = arith.addf %dot_general3A_145, %get3A_148 : vector<1x256xf32>
    %get3A_150 = arith.constant 2 : index
    %get3A_151 = arith.constant 0 : index
    %get3A_152 = arith.constant 0 : index
    %get3A_153 = vector.load %arg2[%get3A_150, %get3A_151, %get3A_152] : memref<5x198x1xf32, #tpu.memory_space<vmem>>, vector<1x198x1xf32>
    %get3A_154 = vector.shape_cast %get3A_153 : vector<1x198x1xf32> to vector<198x1xf32>
    %get3A_155 = arith.constant 0 : index
    %get3A_156 = arith.constant 0 : index
    %get3A_157 = vector.load %arg10[%get3A_155, %get3A_156] : memref<198x198xf32, #tpu.memory_space<vmem>>, vector<198x198xf32>
    %dot_general3A_158 = arith.constant dense<0.000000e+00> : vector<198x1xf32>
    %dot_general3A_159 = tpu.matmul %get3A_157, %get3A_154, %dot_general3A_158 {dimension_numbers = #tpu.dot_dimension_numbers<[1], [0], [0], [1], [0, 0, 1, 1], [], []>, transpose_lhs_hint = false} : vector<198x198xf32>, vector<198x1xf32>, vector<198x1xf32> -> vector<198x1xf32>
    %get3A_160 = arith.constant 0 : index
    %get3A_161 = arith.constant 0 : index
    %get3A_162 = vector.load %arg11[%get3A_160, %get3A_161] : memref<1x256xf32, #tpu.memory_space<vmem>>, vector<1x256xf32>
    %mul3A_163 = vector.broadcast %dot_general3A_159 : vector<198x1xf32> to vector<198x256xf32>
    %mul3A_164 = vector.broadcast %get3A_162 : vector<1x256xf32> to vector<198x256xf32>
    %mul3A_165 = arith.mulf %mul3A_163, %mul3A_164 : vector<198x256xf32>
    %get3A_166 = arith.constant 0 : index
    %get3A_167 = arith.constant 0 : index
    %get3A_168 = vector.load %arg5[%get3A_166, %get3A_167] : memref<1x256xf32, #tpu.memory_space<vmem>>, vector<1x256xf32>
    %add3A_169 = vector.broadcast %get3A_168 : vector<1x256xf32> to vector<198x256xf32>
    %add3A_170 = arith.addf %dot_general3A_135, %add3A_169 : vector<198x256xf32>
    %add3A_171 = vector.broadcast %add3A_149 : vector<1x256xf32> to vector<198x256xf32>
    %add3A_172 = arith.addf %add3A_170, %add3A_171 : vector<198x256xf32>
    %add3A_173 = arith.addf %add3A_172, %mul3A_165 : vector<198x256xf32>
    %tanh3A_174 = math.tanh %add3A_173 : vector<198x256xf32>
    %get3A_175 = arith.constant 0 : index
    %get3A_176 = arith.constant 0 : index
    %get3A_177 = vector.load %arg8[%get3A_175, %get3A_176] : memref<1x256xf32, #tpu.memory_space<vmem>>, vector<1x256xf32>
    %dot_general3A_178 = arith.constant dense<0.000000e+00> : vector<1x198xf32>
    %dot_general3A_179 = tpu.matmul %get3A_177, %tanh3A_174, %dot_general3A_178 {dimension_numbers = #tpu.dot_dimension_numbers<[1], [1], [0], [0], [0, 0, 1, 0], [], []>, transpose_lhs_hint = false} : vector<1x256xf32>, vector<198x256xf32>, vector<1x198xf32> -> vector<1x198xf32>
    %get3A_180 = arith.constant 0 : index
    %get3A_181 = arith.constant 0 : index
    %get3A_182 = vector.load %arg9[%get3A_180, %get3A_181] : memref<1x1xf32, #tpu.memory_space<vmem>>, vector<1x1xf32>
    %add3A_183 = vector.broadcast %get3A_182 : vector<1x1xf32> to vector<1x198xf32>
    %add3A_184 = arith.addf %dot_general3A_179, %add3A_183 : vector<1x198xf32>
    %concatenate3A_185 = tpu.concatenate %add3A_184, %broadcast_in_dim3A_0 in 1 : vector<1x198xf32>, vector<1x58xf32> -> vector<1x256xf32>
    %swap3A_186 = arith.constant 2 : index
    %swap3A_187 = arith.constant 0 : index
    %swap3A_188 = arith.constant 0 : index
    %swap3A_189 = vector.load %arg12[%swap3A_186, %swap3A_187, %swap3A_188] : memref<5x1x256xf32, #tpu.memory_space<vmem>>, vector<1x1x256xf32>
    %swap3A_190 = vector.shape_cast %swap3A_189 : vector<1x1x256xf32> to vector<1x256xf32>
    %swap3A_191 = vector.shape_cast %concatenate3A_185 : vector<1x256xf32> to vector<1x1x256xf32>
    tpu.vector_store %arg12[%swap3A_186, %swap3A_187, %swap3A_188], %swap3A_191 {strides = array<i32>} : memref<5x1x256xf32, #tpu.memory_space<vmem>>, vector<1x1x256xf32>,
    %get3A_192 = arith.constant 3 : index
    %get3A_193 = arith.constant 0 : index
    %get3A_194 = arith.constant 0 : index
    %get3A_195 = vector.load %arg3[%get3A_192, %get3A_193, %get3A_194] : memref<5x198x256xf32, #tpu.memory_space<vmem>>, vector<1x198x256xf32>
    %get3A_196 = vector.shape_cast %get3A_195 : vector<1x198x256xf32> to vector<198x256xf32>
    %get3A_197 = arith.constant 0 : index
    %get3A_198 = arith.constant 0 : index
    %get3A_199 = vector.load %arg4[%get3A_197, %get3A_198] : memref<256x256xf32, #tpu.memory_space<vmem>>, vector<256x256xf32>
    %dot_general3A_200 = arith.constant dense<0.000000e+00> : vector<198x256xf32>
    %dot_general3A_201 = tpu.matmul %get3A_196, %get3A_199, %dot_general3A_200 {dimension_numbers = #tpu.dot_dimension_numbers<[1], [1], [0], [0], [0, 0, 1, 0], [], []>, transpose_lhs_hint = false} : vector<198x256xf32>, vector<256x256xf32>, vector<198x256xf32> -> vector<198x256xf32>
    %get3A_202 = arith.constant 3 : index
    %get3A_203 = arith.constant 0 : index
    %get3A_204 = arith.constant 0 : index
    %get3A_205 = vector.load %arg1[%get3A_202, %get3A_203, %get3A_204] : memref<5x1x256xf32, #tpu.memory_space<vmem>>, vector<1x1x256xf32>
    %get3A_206 = vector.shape_cast %get3A_205 : vector<1x1x256xf32> to vector<1x256xf32>
    %get3A_207 = arith.constant 0 : index
    %get3A_208 = arith.constant 0 : index
    %get3A_209 = vector.load %arg6[%get3A_207, %get3A_208] : memref<256x256xf32, #tpu.memory_space<vmem>>, vector<256x256xf32>
    %dot_general3A_210 = arith.constant dense<0.000000e+00> : vector<1x256xf32>
    %dot_general3A_211 = tpu.matmul %get3A_206, %get3A_209, %dot_general3A_210 {dimension_numbers = #tpu.dot_dimension_numbers<[1], [1], [0], [0], [0, 0, 1, 0], [], []>, transpose_lhs_hint = false} : vector<1x256xf32>, vector<256x256xf32>, vector<1x256xf32> -> vector<1x256xf32>
    %get3A_212 = arith.constant 0 : index
    %get3A_213 = arith.constant 0 : index
    %get3A_214 = vector.load %arg7[%get3A_212, %get3A_213] : memref<1x256xf32, #tpu.memory_space<vmem>>, vector<1x256xf32>
    %add3A_215 = arith.addf %dot_general3A_211, %get3A_214 : vector<1x256xf32>
    %get3A_216 = arith.constant 3 : index
    %get3A_217 = arith.constant 0 : index
    %get3A_218 = arith.constant 0 : index
    %get3A_219 = vector.load %arg2[%get3A_216, %get3A_217, %get3A_218] : memref<5x198x1xf32, #tpu.memory_space<vmem>>, vector<1x198x1xf32>
    %get3A_220 = vector.shape_cast %get3A_219 : vector<1x198x1xf32> to vector<198x1xf32>
    %get3A_221 = arith.constant 0 : index
    %get3A_222 = arith.constant 0 : index
    %get3A_223 = vector.load %arg10[%get3A_221, %get3A_222] : memref<198x198xf32, #tpu.memory_space<vmem>>, vector<198x198xf32>
    %dot_general3A_224 = arith.constant dense<0.000000e+00> : vector<198x1xf32>
    %dot_general3A_225 = tpu.matmul %get3A_223, %get3A_220, %dot_general3A_224 {dimension_numbers = #tpu.dot_dimension_numbers<[1], [0], [0], [1], [0, 0, 1, 1], [], []>, transpose_lhs_hint = false} : vector<198x198xf32>, vector<198x1xf32>, vector<198x1xf32> -> vector<198x1xf32>
    %get3A_226 = arith.constant 0 : index
    %get3A_227 = arith.constant 0 : index
    %get3A_228 = vector.load %arg11[%get3A_226, %get3A_227] : memref<1x256xf32, #tpu.memory_space<vmem>>, vector<1x256xf32>
    %mul3A_229 = vector.broadcast %dot_general3A_225 : vector<198x1xf32> to vector<198x256xf32>
    %mul3A_230 = vector.broadcast %get3A_228 : vector<1x256xf32> to vector<198x256xf32>
    %mul3A_231 = arith.mulf %mul3A_229, %mul3A_230 : vector<198x256xf32>
    %get3A_232 = arith.constant 0 : index
    %get3A_233 = arith.constant 0 : index
    %get3A_234 = vector.load %arg5[%get3A_232, %get3A_233] : memref<1x256xf32, #tpu.memory_space<vmem>>, vector<1x256xf32>
    %add3A_235 = vector.broadcast %get3A_234 : vector<1x256xf32> to vector<198x256xf32>
    %add3A_236 = arith.addf %dot_general3A_201, %add3A_235 : vector<198x256xf32>
    %add3A_237 = vector.broadcast %add3A_215 : vector<1x256xf32> to vector<198x256xf32>
    %add3A_238 = arith.addf %add3A_236, %add3A_237 : vector<198x256xf32>
    %add3A_239 = arith.addf %add3A_238, %mul3A_231 : vector<198x256xf32>
    %tanh3A_240 = math.tanh %add3A_239 : vector<198x256xf32>
    %get3A_241 = arith.constant 0 : index
    %get3A_242 = arith.constant 0 : index
    %get3A_243 = vector.load %arg8[%get3A_241, %get3A_242] : memref<1x256xf32, #tpu.memory_space<vmem>>, vector<1x256xf32>
    %dot_general3A_244 = arith.constant dense<0.000000e+00> : vector<1x198xf32>
    %dot_general3A_245 = tpu.matmul %get3A_243, %tanh3A_240, %dot_general3A_244 {dimension_numbers = #tpu.dot_dimension_numbers<[1], [1], [0], [0], [0, 0, 1, 0], [], []>, transpose_lhs_hint = false} : vector<1x256xf32>, vector<198x256xf32>, vector<1x198xf32> -> vector<1x198xf32>
    %get3A_246 = arith.constant 0 : index
    %get3A_247 = arith.constant 0 : index
    %get3A_248 = vector.load %arg9[%get3A_246, %get3A_247] : memref<1x1xf32, #tpu.memory_space<vmem>>, vector<1x1xf32>
    %add3A_249 = vector.broadcast %get3A_248 : vector<1x1xf32> to vector<1x198xf32>
    %add3A_250 = arith.addf %dot_general3A_245, %add3A_249 : vector<1x198xf32>
    %concatenate3A_251 = tpu.concatenate %add3A_250, %broadcast_in_dim3A_0 in 1 : vector<1x198xf32>, vector<1x58xf32> -> vector<1x256xf32>
    %swap3A_252 = arith.constant 3 : index
    %swap3A_253 = arith.constant 0 : index
    %swap3A_254 = arith.constant 0 : index
    %swap3A_255 = vector.load %arg12[%swap3A_252, %swap3A_253, %swap3A_254] : memref<5x1x256xf32, #tpu.memory_space<vmem>>, vector<1x1x256xf32>
    %swap3A_256 = vector.shape_cast %swap3A_255 : vector<1x1x256xf32> to vector<1x256xf32>
    %swap3A_257 = vector.shape_cast %concatenate3A_251 : vector<1x256xf32> to vector<1x1x256xf32>
    tpu.vector_store %arg12[%swap3A_252, %swap3A_253, %swap3A_254], %swap3A_257 {strides = array<i32>} : memref<5x1x256xf32, #tpu.memory_space<vmem>>, vector<1x1x256xf32>,
    %get3A_258 = arith.constant 4 : index
    %get3A_259 = arith.constant 0 : index
    %get3A_260 = arith.constant 0 : index
    %get3A_261 = vector.load %arg3[%get3A_258, %get3A_259, %get3A_260] : memref<5x198x256xf32, #tpu.memory_space<vmem>>, vector<1x198x256xf32>
    %get3A_262 = vector.shape_cast %get3A_261 : vector<1x198x256xf32> to vector<198x256xf32>
    %get3A_263 = arith.constant 0 : index
    %get3A_264 = arith.constant 0 : index
    %get3A_265 = vector.load %arg4[%get3A_263, %get3A_264] : memref<256x256xf32, #tpu.memory_space<vmem>>, vector<256x256xf32>
    %dot_general3A_266 = arith.constant dense<0.000000e+00> : vector<198x256xf32>
    %dot_general3A_267 = tpu.matmul %get3A_262, %get3A_265, %dot_general3A_266 {dimension_numbers = #tpu.dot_dimension_numbers<[1], [1], [0], [0], [0, 0, 1, 0], [], []>, transpose_lhs_hint = false} : vector<198x256xf32>, vector<256x256xf32>, vector<198x256xf32> -> vector<198x256xf32>
    %get3A_268 = arith.constant 4 : index
    %get3A_269 = arith.constant 0 : index
    %get3A_270 = arith.constant 0 : index
    %get3A_271 = vector.load %arg1[%get3A_268, %get3A_269, %get3A_270] : memref<5x1x256xf32, #tpu.memory_space<vmem>>, vector<1x1x256xf32>
    %get3A_272 = vector.shape_cast %get3A_271 : vector<1x1x256xf32> to vector<1x256xf32>
    %get3A_273 = arith.constant 0 : index
    %get3A_274 = arith.constant 0 : index
    %get3A_275 = vector.load %arg6[%get3A_273, %get3A_274] : memref<256x256xf32, #tpu.memory_space<vmem>>, vector<256x256xf32>
    %dot_general3A_276 = arith.constant dense<0.000000e+00> : vector<1x256xf32>
    %dot_general3A_277 = tpu.matmul %get3A_272, %get3A_275, %dot_general3A_276 {dimension_numbers = #tpu.dot_dimension_numbers<[1], [1], [0], [0], [0, 0, 1, 0], [], []>, transpose_lhs_hint = false} : vector<1x256xf32>, vector<256x256xf32>, vector<1x256xf32> -> vector<1x256xf32>
    %get3A_278 = arith.constant 0 : index
    %get3A_279 = arith.constant 0 : index
    %get3A_280 = vector.load %arg7[%get3A_278, %get3A_279] : memref<1x256xf32, #tpu.memory_space<vmem>>, vector<1x256xf32>
    %add3A_281 = arith.addf %dot_general3A_277, %get3A_280 : vector<1x256xf32>
    %get3A_282 = arith.constant 4 : index
    %get3A_283 = arith.constant 0 : index
    %get3A_284 = arith.constant 0 : index
    %get3A_285 = vector.load %arg2[%get3A_282, %get3A_283, %get3A_284] : memref<5x198x1xf32, #tpu.memory_space<vmem>>, vector<1x198x1xf32>
    %get3A_286 = vector.shape_cast %get3A_285 : vector<1x198x1xf32> to vector<198x1xf32>
    %get3A_287 = arith.constant 0 : index
    %get3A_288 = arith.constant 0 : index
    %get3A_289 = vector.load %arg10[%get3A_287, %get3A_288] : memref<198x198xf32, #tpu.memory_space<vmem>>, vector<198x198xf32>
    %dot_general3A_290 = arith.constant dense<0.000000e+00> : vector<198x1xf32>
    %dot_general3A_291 = tpu.matmul %get3A_289, %get3A_286, %dot_general3A_290 {dimension_numbers = #tpu.dot_dimension_numbers<[1], [0], [0], [1], [0, 0, 1, 1], [], []>, transpose_lhs_hint = false} : vector<198x198xf32>, vector<198x1xf32>, vector<198x1xf32> -> vector<198x1xf32>
    %get3A_292 = arith.constant 0 : index
    %get3A_293 = arith.constant 0 : index
    %get3A_294 = vector.load %arg11[%get3A_292, %get3A_293] : memref<1x256xf32, #tpu.memory_space<vmem>>, vector<1x256xf32>
    %mul3A_295 = vector.broadcast %dot_general3A_291 : vector<198x1xf32> to vector<198x256xf32>
    %mul3A_296 = vector.broadcast %get3A_294 : vector<1x256xf32> to vector<198x256xf32>
    %mul3A_297 = arith.mulf %mul3A_295, %mul3A_296 : vector<198x256xf32>
    %get3A_298 = arith.constant 0 : index
    %get3A_299 = arith.constant 0 : index
    %get3A_300 = vector.load %arg5[%get3A_298, %get3A_299] : memref<1x256xf32, #tpu.memory_space<vmem>>, vector<1x256xf32>
    %add3A_301 = vector.broadcast %get3A_300 : vector<1x256xf32> to vector<198x256xf32>
    %add3A_302 = arith.addf %dot_general3A_267, %add3A_301 : vector<198x256xf32>
    %add3A_303 = vector.broadcast %add3A_281 : vector<1x256xf32> to vector<198x256xf32>
    %add3A_304 = arith.addf %add3A_302, %add3A_303 : vector<198x256xf32>
    %add3A_305 = arith.addf %add3A_304, %mul3A_297 : vector<198x256xf32>
    %tanh3A_306 = math.tanh %add3A_305 : vector<198x256xf32>
    %get3A_307 = arith.constant 0 : index
    %get3A_308 = arith.constant 0 : index
    %get3A_309 = vector.load %arg8[%get3A_307, %get3A_308] : memref<1x256xf32, #tpu.memory_space<vmem>>, vector<1x256xf32>
    %dot_general3A_310 = arith.constant dense<0.000000e+00> : vector<1x198xf32>
    %dot_general3A_311 = tpu.matmul %get3A_309, %tanh3A_306, %dot_general3A_310 {dimension_numbers = #tpu.dot_dimension_numbers<[1], [1], [0], [0], [0, 0, 1, 0], [], []>, transpose_lhs_hint = false} : vector<1x256xf32>, vector<198x256xf32>, vector<1x198xf32> -> vector<1x198xf32>
    %get3A_312 = arith.constant 0 : index
    %get3A_313 = arith.constant 0 : index
    %get3A_314 = vector.load %arg9[%get3A_312, %get3A_313] : memref<1x1xf32, #tpu.memory_space<vmem>>, vector<1x1xf32>
    %add3A_315 = vector.broadcast %get3A_314 : vector<1x1xf32> to vector<1x198xf32>
    %add3A_316 = arith.addf %dot_general3A_311, %add3A_315 : vector<1x198xf32>
    %concatenate3A_317 = tpu.concatenate %add3A_316, %broadcast_in_dim3A_0 in 1 : vector<1x198xf32>, vector<1x58xf32> -> vector<1x256xf32>
    %swap3A_318 = arith.constant 4 : index
    %swap3A_319 = arith.constant 0 : index
    %swap3A_320 = arith.constant 0 : index
    %swap3A_321 = vector.load %arg12[%swap3A_318, %swap3A_319, %swap3A_320] : memref<5x1x256xf32, #tpu.memory_space<vmem>>, vector<1x1x256xf32>
    %swap3A_322 = vector.shape_cast %swap3A_321 : vector<1x1x256xf32> to vector<1x256xf32>
    %swap3A_323 = vector.shape_cast %concatenate3A_317 : vector<1x256xf32> to vector<1x1x256xf32>
    tpu.vector_store %arg12[%swap3A_318, %swap3A_319, %swap3A_320], %swap3A_323 {strides = array<i32>} : memref<5x1x256xf32, #tpu.memory_space<vmem>>, vector<1x1x256xf32>,
    return
  }
  func.func @transform_0(%arg0: i32) -> (i32, i32, i32) {
    %c0_i32 = arith.constant 0 : i32
    %c0_i32_0 = arith.constant 0 : i32
    %c0_i32_1 = arith.constant 0 : i32
    return %arg0, %c0_i32, %c0_i32_0 : i32, i32, i32
  }
  func.func @transform_1(%arg0: i32) -> (i32, i32, i32) {
    %c0_i32 = arith.constant 0 : i32
    %c0_i32_0 = arith.constant 0 : i32
    %c0_i32_1 = arith.constant 0 : i32
    return %arg0, %c0_i32, %c0_i32_0 : i32, i32, i32
  }
  func.func @transform_2(%arg0: i32) -> (i32, i32, i32) {
    %c0_i32 = arith.constant 0 : i32
    %c0_i32_0 = arith.constant 0 : i32
    %c0_i32_1 = arith.constant 0 : i32
    return %arg0, %c0_i32, %c0_i32_0 : i32, i32, i32
  }
  func.func @transform_3(%arg0: i32) -> (i32, i32) {
    %c0_i32 = arith.constant 0 : i32
    %c0_i32_0 = arith.constant 0 : i32
    %c0_i32_1 = arith.constant 0 : i32
    return %c0_i32, %c0_i32_0 : i32, i32
  }
  func.func @transform_4(%arg0: i32) -> (i32, i32) {
    %c0_i32 = arith.constant 0 : i32
    %c0_i32_0 = arith.constant 0 : i32
    %c0_i32_1 = arith.constant 0 : i32
    return %c0_i32, %c0_i32_0 : i32, i32
  }
  func.func @transform_5(%arg0: i32) -> (i32, i32) {
    %c0_i32 = arith.constant 0 : i32
    %c0_i32_0 = arith.constant 0 : i32
    %c0_i32_1 = arith.constant 0 : i32
    return %c0_i32, %c0_i32_0 : i32, i32
  }
  func.func @transform_6(%arg0: i32) -> (i32, i32) {
    %c0_i32 = arith.constant 0 : i32
    %c0_i32_0 = arith.constant 0 : i32
    %c0_i32_1 = arith.constant 0 : i32
    return %c0_i32, %c0_i32_0 : i32, i32
  }
  func.func @transform_7(%arg0: i32) -> (i32, i32) {
    %c0_i32 = arith.constant 0 : i32
    %c0_i32_0 = arith.constant 0 : i32
    %c0_i32_1 = arith.constant 0 : i32
    return %c0_i32, %c0_i32_0 : i32, i32
  }
  func.func @transform_8(%arg0: i32) -> (i32, i32) {
    %c0_i32 = arith.constant 0 : i32
    %c0_i32_0 = arith.constant 0 : i32
    %c0_i32_1 = arith.constant 0 : i32
    return %c0_i32, %c0_i32_0 : i32, i32
  }
  func.func @transform_9(%arg0: i32) -> (i32, i32) {
    %c0_i32 = arith.constant 0 : i32
    %c0_i32_0 = arith.constant 0 : i32
    %c0_i32_1 = arith.constant 0 : i32
    return %c0_i32, %c0_i32_0 : i32, i32
  }
  func.func @transform_10(%arg0: i32) -> (i32, i32) {
    %c0_i32 = arith.constant 0 : i32
    %c0_i32_0 = arith.constant 0 : i32
    %c0_i32_1 = arith.constant 0 : i32
    return %c0_i32, %c0_i32_0 : i32, i32
  }
  func.func @transform_11(%arg0: i32) -> (i32, i32, i32) {
    %c0_i32 = arith.constant 0 : i32
    %c0_i32_0 = arith.constant 0 : i32
    %c0_i32_1 = arith.constant 0 : i32
    return %arg0, %c0_i32, %c0_i32_0 : i32, i32, i32
  }
}

module attributes {stable_mosaic.version = 14 : i64} {
  func.func @_finish_body(%arg0: memref<20x256xf32, #tpu.memory_space<vmem>>, %arg1: memref<20x198x256xf32, #tpu.memory_space<vmem>>, %arg2: memref<20x256xf32, #tpu.memory_space<vmem>>, %arg3: memref<20x198xf32, #tpu.memory_space<vmem>>, %arg4: memref<20x198xf32, #tpu.memory_space<vmem>>) attributes {dimension_semantics = [], scalar_prefetch = 0 : i64, scratch_operands = 0 : i64, tpu.core_type = #tpu.core_type<tc>} {
    %iota3A = tpu.iota {dimensions = array<i32: 1>} : vector<20x256xi32>
    %lt3A = arith.constant 198 : i32
    %lt3A_0 = vector.broadcast %lt3A : i32 to vector<20x256xi32>
    %lt3A_1 = arith.cmpi slt, %iota3A, %lt3A_0 : vector<20x256xi32>
    %get3A = arith.constant 0 : index
    %get3A_2 = arith.constant 0 : index
    %get3A_3 = vector.load %arg0[%get3A, %get3A_2] : memref<20x256xf32, #tpu.memory_space<vmem>>, vector<20x256xf32>
    %neg3A = arith.constant 0.000000e+00 : f32
    %neg3A_4 = vector.broadcast %neg3A : f32 to vector<20x256xf32>
    %neg3A_5 = arith.subf %neg3A_4, %get3A_3 : vector<20x256xf32>
    %exp3A = math.exp %neg3A_5 : vector<20x256xf32>
    %add3A = arith.constant 1.000000e+00 : f32
    %add3A_6 = vector.broadcast %add3A : f32 to vector<20x256xf32>
    %add3A_7 = arith.addf %add3A_6, %exp3A : vector<20x256xf32>
    %div3A = arith.constant 1.000000e+00 : f32
    %div3A_8 = vector.broadcast %div3A : f32 to vector<20x256xf32>
    %div3A_9 = arith.divf %div3A_8, %add3A_7 : vector<20x256xf32>
    %jit3A = arith.constant 0.000000e+00 : f32
    %broadcast_in_dim3A = vector.broadcast %jit3A : f32 to vector<20x256xf32>
    %select_n3A = arith.select %lt3A_1, %div3A_9, %broadcast_in_dim3A : vector<20x256xi1>, vector<20x256xf32>
    %reduce_sum3A = arith.constant dense<0.000000e+00> : vector<256xf32>
    %reduce_sum3A_10 = vector.multi_reduction <add>, %select_n3A, %reduce_sum3A [0] : vector<20x256xf32> to vector<256xf32>
    %broadcast_in_dim3A_11 = vector.shape_cast %reduce_sum3A_10 : vector<256xf32> to vector<1x256xf32>
    %eq3A = arith.constant 0.000000e+00 : f32
    %eq3A_12 = vector.broadcast %eq3A : f32 to vector<1x256xf32>
    %eq3A_13 = arith.cmpf oeq, %broadcast_in_dim3A_11, %eq3A_12 : vector<1x256xf32>
    %jit3A_14 = arith.constant 1.000000e+00 : f32
    %broadcast_in_dim3A_15 = vector.broadcast %jit3A_14 : f32 to vector<1x256xf32>
    %select_n3A_16 = arith.select %eq3A_13, %broadcast_in_dim3A_15, %broadcast_in_dim3A_11 : vector<1x256xi1>, vector<1x256xf32>
    %div3A_17 = vector.broadcast %select_n3A_16 : vector<1x256xf32> to vector<20x256xf32>
    %div3A_18 = arith.divf %select_n3A, %div3A_17 : vector<20x256xf32>
    %slice3A = vector.extract_strided_slice %div3A_18 {offsets = [0, 0], sizes = [20, 198], strides = [1, 1]} : vector<20x256xf32> to vector<20x198xf32>
    %swap3A = arith.constant 0 : index
    %swap3A_19 = arith.constant 0 : index
    %swap3A_20 = vector.load %arg3[%swap3A, %swap3A_19] : memref<20x198xf32, #tpu.memory_space<vmem>>, vector<20x198xf32>
    tpu.vector_store %arg3[%swap3A, %swap3A_19], %slice3A {strides = array<i32>} : memref<20x198xf32, #tpu.memory_space<vmem>>, vector<20x198xf32>,
    %slice3A_21 = vector.extract_strided_slice %get3A_3 {offsets = [0, 0], sizes = [20, 198], strides = [1, 1]} : vector<20x256xf32> to vector<20x198xf32>
    %swap3A_22 = arith.constant 0 : index
    %swap3A_23 = arith.constant 0 : index
    %swap3A_24 = vector.load %arg4[%swap3A_22, %swap3A_23] : memref<20x198xf32, #tpu.memory_space<vmem>>, vector<20x198xf32>
    tpu.vector_store %arg4[%swap3A_22, %swap3A_23], %slice3A_21 {strides = array<i32>} : memref<20x198xf32, #tpu.memory_space<vmem>>, vector<20x198xf32>,
    %slice3A_25 = vector.extract_strided_slice %div3A_18 {offsets = [0, 0], sizes = [1, 198], strides = [1, 1]} : vector<20x256xf32> to vector<1x198xf32>
    %get3A_26 = arith.constant 0 : index
    %get3A_27 = arith.constant 0 : index
    %get3A_28 = arith.constant 0 : index
    %get3A_29 = vector.load %arg1[%get3A_26, %get3A_27, %get3A_28] : memref<20x198x256xf32, #tpu.memory_space<vmem>>, vector<1x198x256xf32>
    %get3A_30 = vector.shape_cast %get3A_29 : vector<1x198x256xf32> to vector<198x256xf32>
    %dot_general3A = arith.constant dense<0.000000e+00> : vector<1x256xf32>
    %dot_general3A_31 = tpu.matmul %slice3A_25, %get3A_30, %dot_general3A {dimension_numbers = #tpu.dot_dimension_numbers<[1], [0], [0], [1], [0, 0, 1, 1], [], []>, precision = #tpu.contract_precision<fp32>, transpose_lhs_hint = false} : vector<1x198xf32>, vector<198x256xf32>, vector<1x256xf32> -> vector<1x256xf32>
    %swap3A_32 = arith.constant 0 : index
    %swap3A_33 = arith.constant 0 : index
    %swap3A_34 = vector.load %arg2[%swap3A_32, %swap3A_33] : memref<20x256xf32, #tpu.memory_space<vmem>>, vector<1x256xf32>
    tpu.vector_store %arg2[%swap3A_32, %swap3A_33], %dot_general3A_31 {strides = array<i32>} : memref<20x256xf32, #tpu.memory_space<vmem>>, vector<1x256xf32>,
    %slice3A_35 = vector.extract_strided_slice %div3A_18 {offsets = [1, 0], sizes = [1, 198], strides = [1, 1]} : vector<20x256xf32> to vector<1x198xf32>
    %get3A_36 = arith.constant 1 : index
    %get3A_37 = arith.constant 0 : index
    %get3A_38 = arith.constant 0 : index
    %get3A_39 = vector.load %arg1[%get3A_36, %get3A_37, %get3A_38] : memref<20x198x256xf32, #tpu.memory_space<vmem>>, vector<1x198x256xf32>
    %get3A_40 = vector.shape_cast %get3A_39 : vector<1x198x256xf32> to vector<198x256xf32>
    %dot_general3A_41 = arith.constant dense<0.000000e+00> : vector<1x256xf32>
    %dot_general3A_42 = tpu.matmul %slice3A_35, %get3A_40, %dot_general3A_41 {dimension_numbers = #tpu.dot_dimension_numbers<[1], [0], [0], [1], [0, 0, 1, 1], [], []>, precision = #tpu.contract_precision<fp32>, transpose_lhs_hint = false} : vector<1x198xf32>, vector<198x256xf32>, vector<1x256xf32> -> vector<1x256xf32>
    %swap3A_43 = arith.constant 1 : index
    %swap3A_44 = arith.constant 0 : index
    %swap3A_45 = vector.load %arg2[%swap3A_43, %swap3A_44] : memref<20x256xf32, #tpu.memory_space<vmem>>, vector<1x256xf32>
    tpu.vector_store %arg2[%swap3A_43, %swap3A_44], %dot_general3A_42 {strides = array<i32>} : memref<20x256xf32, #tpu.memory_space<vmem>>, vector<1x256xf32>,
    %slice3A_46 = vector.extract_strided_slice %div3A_18 {offsets = [2, 0], sizes = [1, 198], strides = [1, 1]} : vector<20x256xf32> to vector<1x198xf32>
    %get3A_47 = arith.constant 2 : index
    %get3A_48 = arith.constant 0 : index
    %get3A_49 = arith.constant 0 : index
    %get3A_50 = vector.load %arg1[%get3A_47, %get3A_48, %get3A_49] : memref<20x198x256xf32, #tpu.memory_space<vmem>>, vector<1x198x256xf32>
    %get3A_51 = vector.shape_cast %get3A_50 : vector<1x198x256xf32> to vector<198x256xf32>
    %dot_general3A_52 = arith.constant dense<0.000000e+00> : vector<1x256xf32>
    %dot_general3A_53 = tpu.matmul %slice3A_46, %get3A_51, %dot_general3A_52 {dimension_numbers = #tpu.dot_dimension_numbers<[1], [0], [0], [1], [0, 0, 1, 1], [], []>, precision = #tpu.contract_precision<fp32>, transpose_lhs_hint = false} : vector<1x198xf32>, vector<198x256xf32>, vector<1x256xf32> -> vector<1x256xf32>
    %swap3A_54 = arith.constant 2 : index
    %swap3A_55 = arith.constant 0 : index
    %swap3A_56 = vector.load %arg2[%swap3A_54, %swap3A_55] : memref<20x256xf32, #tpu.memory_space<vmem>>, vector<1x256xf32>
    tpu.vector_store %arg2[%swap3A_54, %swap3A_55], %dot_general3A_53 {strides = array<i32>} : memref<20x256xf32, #tpu.memory_space<vmem>>, vector<1x256xf32>,
    %slice3A_57 = vector.extract_strided_slice %div3A_18 {offsets = [3, 0], sizes = [1, 198], strides = [1, 1]} : vector<20x256xf32> to vector<1x198xf32>
    %get3A_58 = arith.constant 3 : index
    %get3A_59 = arith.constant 0 : index
    %get3A_60 = arith.constant 0 : index
    %get3A_61 = vector.load %arg1[%get3A_58, %get3A_59, %get3A_60] : memref<20x198x256xf32, #tpu.memory_space<vmem>>, vector<1x198x256xf32>
    %get3A_62 = vector.shape_cast %get3A_61 : vector<1x198x256xf32> to vector<198x256xf32>
    %dot_general3A_63 = arith.constant dense<0.000000e+00> : vector<1x256xf32>
    %dot_general3A_64 = tpu.matmul %slice3A_57, %get3A_62, %dot_general3A_63 {dimension_numbers = #tpu.dot_dimension_numbers<[1], [0], [0], [1], [0, 0, 1, 1], [], []>, precision = #tpu.contract_precision<fp32>, transpose_lhs_hint = false} : vector<1x198xf32>, vector<198x256xf32>, vector<1x256xf32> -> vector<1x256xf32>
    %swap3A_65 = arith.constant 3 : index
    %swap3A_66 = arith.constant 0 : index
    %swap3A_67 = vector.load %arg2[%swap3A_65, %swap3A_66] : memref<20x256xf32, #tpu.memory_space<vmem>>, vector<1x256xf32>
    tpu.vector_store %arg2[%swap3A_65, %swap3A_66], %dot_general3A_64 {strides = array<i32>} : memref<20x256xf32, #tpu.memory_space<vmem>>, vector<1x256xf32>,
    %slice3A_68 = vector.extract_strided_slice %div3A_18 {offsets = [4, 0], sizes = [1, 198], strides = [1, 1]} : vector<20x256xf32> to vector<1x198xf32>
    %get3A_69 = arith.constant 4 : index
    %get3A_70 = arith.constant 0 : index
    %get3A_71 = arith.constant 0 : index
    %get3A_72 = vector.load %arg1[%get3A_69, %get3A_70, %get3A_71] : memref<20x198x256xf32, #tpu.memory_space<vmem>>, vector<1x198x256xf32>
    %get3A_73 = vector.shape_cast %get3A_72 : vector<1x198x256xf32> to vector<198x256xf32>
    %dot_general3A_74 = arith.constant dense<0.000000e+00> : vector<1x256xf32>
    %dot_general3A_75 = tpu.matmul %slice3A_68, %get3A_73, %dot_general3A_74 {dimension_numbers = #tpu.dot_dimension_numbers<[1], [0], [0], [1], [0, 0, 1, 1], [], []>, precision = #tpu.contract_precision<fp32>, transpose_lhs_hint = false} : vector<1x198xf32>, vector<198x256xf32>, vector<1x256xf32> -> vector<1x256xf32>
    %swap3A_76 = arith.constant 4 : index
    %swap3A_77 = arith.constant 0 : index
    %swap3A_78 = vector.load %arg2[%swap3A_76, %swap3A_77] : memref<20x256xf32, #tpu.memory_space<vmem>>, vector<1x256xf32>
    tpu.vector_store %arg2[%swap3A_76, %swap3A_77], %dot_general3A_75 {strides = array<i32>} : memref<20x256xf32, #tpu.memory_space<vmem>>, vector<1x256xf32>,
    %slice3A_79 = vector.extract_strided_slice %div3A_18 {offsets = [5, 0], sizes = [1, 198], strides = [1, 1]} : vector<20x256xf32> to vector<1x198xf32>
    %get3A_80 = arith.constant 5 : index
    %get3A_81 = arith.constant 0 : index
    %get3A_82 = arith.constant 0 : index
    %get3A_83 = vector.load %arg1[%get3A_80, %get3A_81, %get3A_82] : memref<20x198x256xf32, #tpu.memory_space<vmem>>, vector<1x198x256xf32>
    %get3A_84 = vector.shape_cast %get3A_83 : vector<1x198x256xf32> to vector<198x256xf32>
    %dot_general3A_85 = arith.constant dense<0.000000e+00> : vector<1x256xf32>
    %dot_general3A_86 = tpu.matmul %slice3A_79, %get3A_84, %dot_general3A_85 {dimension_numbers = #tpu.dot_dimension_numbers<[1], [0], [0], [1], [0, 0, 1, 1], [], []>, precision = #tpu.contract_precision<fp32>, transpose_lhs_hint = false} : vector<1x198xf32>, vector<198x256xf32>, vector<1x256xf32> -> vector<1x256xf32>
    %swap3A_87 = arith.constant 5 : index
    %swap3A_88 = arith.constant 0 : index
    %swap3A_89 = vector.load %arg2[%swap3A_87, %swap3A_88] : memref<20x256xf32, #tpu.memory_space<vmem>>, vector<1x256xf32>
    tpu.vector_store %arg2[%swap3A_87, %swap3A_88], %dot_general3A_86 {strides = array<i32>} : memref<20x256xf32, #tpu.memory_space<vmem>>, vector<1x256xf32>,
    %slice3A_90 = vector.extract_strided_slice %div3A_18 {offsets = [6, 0], sizes = [1, 198], strides = [1, 1]} : vector<20x256xf32> to vector<1x198xf32>
    %get3A_91 = arith.constant 6 : index
    %get3A_92 = arith.constant 0 : index
    %get3A_93 = arith.constant 0 : index
    %get3A_94 = vector.load %arg1[%get3A_91, %get3A_92, %get3A_93] : memref<20x198x256xf32, #tpu.memory_space<vmem>>, vector<1x198x256xf32>
    %get3A_95 = vector.shape_cast %get3A_94 : vector<1x198x256xf32> to vector<198x256xf32>
    %dot_general3A_96 = arith.constant dense<0.000000e+00> : vector<1x256xf32>
    %dot_general3A_97 = tpu.matmul %slice3A_90, %get3A_95, %dot_general3A_96 {dimension_numbers = #tpu.dot_dimension_numbers<[1], [0], [0], [1], [0, 0, 1, 1], [], []>, precision = #tpu.contract_precision<fp32>, transpose_lhs_hint = false} : vector<1x198xf32>, vector<198x256xf32>, vector<1x256xf32> -> vector<1x256xf32>
    %swap3A_98 = arith.constant 6 : index
    %swap3A_99 = arith.constant 0 : index
    %swap3A_100 = vector.load %arg2[%swap3A_98, %swap3A_99] : memref<20x256xf32, #tpu.memory_space<vmem>>, vector<1x256xf32>
    tpu.vector_store %arg2[%swap3A_98, %swap3A_99], %dot_general3A_97 {strides = array<i32>} : memref<20x256xf32, #tpu.memory_space<vmem>>, vector<1x256xf32>,
    %slice3A_101 = vector.extract_strided_slice %div3A_18 {offsets = [7, 0], sizes = [1, 198], strides = [1, 1]} : vector<20x256xf32> to vector<1x198xf32>
    %get3A_102 = arith.constant 7 : index
    %get3A_103 = arith.constant 0 : index
    %get3A_104 = arith.constant 0 : index
    %get3A_105 = vector.load %arg1[%get3A_102, %get3A_103, %get3A_104] : memref<20x198x256xf32, #tpu.memory_space<vmem>>, vector<1x198x256xf32>
    %get3A_106 = vector.shape_cast %get3A_105 : vector<1x198x256xf32> to vector<198x256xf32>
    %dot_general3A_107 = arith.constant dense<0.000000e+00> : vector<1x256xf32>
    %dot_general3A_108 = tpu.matmul %slice3A_101, %get3A_106, %dot_general3A_107 {dimension_numbers = #tpu.dot_dimension_numbers<[1], [0], [0], [1], [0, 0, 1, 1], [], []>, precision = #tpu.contract_precision<fp32>, transpose_lhs_hint = false} : vector<1x198xf32>, vector<198x256xf32>, vector<1x256xf32> -> vector<1x256xf32>
    %swap3A_109 = arith.constant 7 : index
    %swap3A_110 = arith.constant 0 : index
    %swap3A_111 = vector.load %arg2[%swap3A_109, %swap3A_110] : memref<20x256xf32, #tpu.memory_space<vmem>>, vector<1x256xf32>
    tpu.vector_store %arg2[%swap3A_109, %swap3A_110], %dot_general3A_108 {strides = array<i32>} : memref<20x256xf32, #tpu.memory_space<vmem>>, vector<1x256xf32>,
    %slice3A_112 = vector.extract_strided_slice %div3A_18 {offsets = [8, 0], sizes = [1, 198], strides = [1, 1]} : vector<20x256xf32> to vector<1x198xf32>
    %get3A_113 = arith.constant 8 : index
    %get3A_114 = arith.constant 0 : index
    %get3A_115 = arith.constant 0 : index
    %get3A_116 = vector.load %arg1[%get3A_113, %get3A_114, %get3A_115] : memref<20x198x256xf32, #tpu.memory_space<vmem>>, vector<1x198x256xf32>
    %get3A_117 = vector.shape_cast %get3A_116 : vector<1x198x256xf32> to vector<198x256xf32>
    %dot_general3A_118 = arith.constant dense<0.000000e+00> : vector<1x256xf32>
    %dot_general3A_119 = tpu.matmul %slice3A_112, %get3A_117, %dot_general3A_118 {dimension_numbers = #tpu.dot_dimension_numbers<[1], [0], [0], [1], [0, 0, 1, 1], [], []>, precision = #tpu.contract_precision<fp32>, transpose_lhs_hint = false} : vector<1x198xf32>, vector<198x256xf32>, vector<1x256xf32> -> vector<1x256xf32>
    %swap3A_120 = arith.constant 8 : index
    %swap3A_121 = arith.constant 0 : index
    %swap3A_122 = vector.load %arg2[%swap3A_120, %swap3A_121] : memref<20x256xf32, #tpu.memory_space<vmem>>, vector<1x256xf32>
    tpu.vector_store %arg2[%swap3A_120, %swap3A_121], %dot_general3A_119 {strides = array<i32>} : memref<20x256xf32, #tpu.memory_space<vmem>>, vector<1x256xf32>,
    %slice3A_123 = vector.extract_strided_slice %div3A_18 {offsets = [9, 0], sizes = [1, 198], strides = [1, 1]} : vector<20x256xf32> to vector<1x198xf32>
    %get3A_124 = arith.constant 9 : index
    %get3A_125 = arith.constant 0 : index
    %get3A_126 = arith.constant 0 : index
    %get3A_127 = vector.load %arg1[%get3A_124, %get3A_125, %get3A_126] : memref<20x198x256xf32, #tpu.memory_space<vmem>>, vector<1x198x256xf32>
    %get3A_128 = vector.shape_cast %get3A_127 : vector<1x198x256xf32> to vector<198x256xf32>
    %dot_general3A_129 = arith.constant dense<0.000000e+00> : vector<1x256xf32>
    %dot_general3A_130 = tpu.matmul %slice3A_123, %get3A_128, %dot_general3A_129 {dimension_numbers = #tpu.dot_dimension_numbers<[1], [0], [0], [1], [0, 0, 1, 1], [], []>, precision = #tpu.contract_precision<fp32>, transpose_lhs_hint = false} : vector<1x198xf32>, vector<198x256xf32>, vector<1x256xf32> -> vector<1x256xf32>
    %swap3A_131 = arith.constant 9 : index
    %swap3A_132 = arith.constant 0 : index
    %swap3A_133 = vector.load %arg2[%swap3A_131, %swap3A_132] : memref<20x256xf32, #tpu.memory_space<vmem>>, vector<1x256xf32>
    tpu.vector_store %arg2[%swap3A_131, %swap3A_132], %dot_general3A_130 {strides = array<i32>} : memref<20x256xf32, #tpu.memory_space<vmem>>, vector<1x256xf32>,
    %slice3A_134 = vector.extract_strided_slice %div3A_18 {offsets = [10, 0], sizes = [1, 198], strides = [1, 1]} : vector<20x256xf32> to vector<1x198xf32>
    %get3A_135 = arith.constant 10 : index
    %get3A_136 = arith.constant 0 : index
    %get3A_137 = arith.constant 0 : index
    %get3A_138 = vector.load %arg1[%get3A_135, %get3A_136, %get3A_137] : memref<20x198x256xf32, #tpu.memory_space<vmem>>, vector<1x198x256xf32>
    %get3A_139 = vector.shape_cast %get3A_138 : vector<1x198x256xf32> to vector<198x256xf32>
    %dot_general3A_140 = arith.constant dense<0.000000e+00> : vector<1x256xf32>
    %dot_general3A_141 = tpu.matmul %slice3A_134, %get3A_139, %dot_general3A_140 {dimension_numbers = #tpu.dot_dimension_numbers<[1], [0], [0], [1], [0, 0, 1, 1], [], []>, precision = #tpu.contract_precision<fp32>, transpose_lhs_hint = false} : vector<1x198xf32>, vector<198x256xf32>, vector<1x256xf32> -> vector<1x256xf32>
    %swap3A_142 = arith.constant 10 : index
    %swap3A_143 = arith.constant 0 : index
    %swap3A_144 = vector.load %arg2[%swap3A_142, %swap3A_143] : memref<20x256xf32, #tpu.memory_space<vmem>>, vector<1x256xf32>
    tpu.vector_store %arg2[%swap3A_142, %swap3A_143], %dot_general3A_141 {strides = array<i32>} : memref<20x256xf32, #tpu.memory_space<vmem>>, vector<1x256xf32>,
    %slice3A_145 = vector.extract_strided_slice %div3A_18 {offsets = [11, 0], sizes = [1, 198], strides = [1, 1]} : vector<20x256xf32> to vector<1x198xf32>
    %get3A_146 = arith.constant 11 : index
    %get3A_147 = arith.constant 0 : index
    %get3A_148 = arith.constant 0 : index
    %get3A_149 = vector.load %arg1[%get3A_146, %get3A_147, %get3A_148] : memref<20x198x256xf32, #tpu.memory_space<vmem>>, vector<1x198x256xf32>
    %get3A_150 = vector.shape_cast %get3A_149 : vector<1x198x256xf32> to vector<198x256xf32>
    %dot_general3A_151 = arith.constant dense<0.000000e+00> : vector<1x256xf32>
    %dot_general3A_152 = tpu.matmul %slice3A_145, %get3A_150, %dot_general3A_151 {dimension_numbers = #tpu.dot_dimension_numbers<[1], [0], [0], [1], [0, 0, 1, 1], [], []>, precision = #tpu.contract_precision<fp32>, transpose_lhs_hint = false} : vector<1x198xf32>, vector<198x256xf32>, vector<1x256xf32> -> vector<1x256xf32>
    %swap3A_153 = arith.constant 11 : index
    %swap3A_154 = arith.constant 0 : index
    %swap3A_155 = vector.load %arg2[%swap3A_153, %swap3A_154] : memref<20x256xf32, #tpu.memory_space<vmem>>, vector<1x256xf32>
    tpu.vector_store %arg2[%swap3A_153, %swap3A_154], %dot_general3A_152 {strides = array<i32>} : memref<20x256xf32, #tpu.memory_space<vmem>>, vector<1x256xf32>,
    %slice3A_156 = vector.extract_strided_slice %div3A_18 {offsets = [12, 0], sizes = [1, 198], strides = [1, 1]} : vector<20x256xf32> to vector<1x198xf32>
    %get3A_157 = arith.constant 12 : index
    %get3A_158 = arith.constant 0 : index
    %get3A_159 = arith.constant 0 : index
    %get3A_160 = vector.load %arg1[%get3A_157, %get3A_158, %get3A_159] : memref<20x198x256xf32, #tpu.memory_space<vmem>>, vector<1x198x256xf32>
    %get3A_161 = vector.shape_cast %get3A_160 : vector<1x198x256xf32> to vector<198x256xf32>
    %dot_general3A_162 = arith.constant dense<0.000000e+00> : vector<1x256xf32>
    %dot_general3A_163 = tpu.matmul %slice3A_156, %get3A_161, %dot_general3A_162 {dimension_numbers = #tpu.dot_dimension_numbers<[1], [0], [0], [1], [0, 0, 1, 1], [], []>, precision = #tpu.contract_precision<fp32>, transpose_lhs_hint = false} : vector<1x198xf32>, vector<198x256xf32>, vector<1x256xf32> -> vector<1x256xf32>
    %swap3A_164 = arith.constant 12 : index
    %swap3A_165 = arith.constant 0 : index
    %swap3A_166 = vector.load %arg2[%swap3A_164, %swap3A_165] : memref<20x256xf32, #tpu.memory_space<vmem>>, vector<1x256xf32>
    tpu.vector_store %arg2[%swap3A_164, %swap3A_165], %dot_general3A_163 {strides = array<i32>} : memref<20x256xf32, #tpu.memory_space<vmem>>, vector<1x256xf32>,
    %slice3A_167 = vector.extract_strided_slice %div3A_18 {offsets = [13, 0], sizes = [1, 198], strides = [1, 1]} : vector<20x256xf32> to vector<1x198xf32>
    %get3A_168 = arith.constant 13 : index
    %get3A_169 = arith.constant 0 : index
    %get3A_170 = arith.constant 0 : index
    %get3A_171 = vector.load %arg1[%get3A_168, %get3A_169, %get3A_170] : memref<20x198x256xf32, #tpu.memory_space<vmem>>, vector<1x198x256xf32>
    %get3A_172 = vector.shape_cast %get3A_171 : vector<1x198x256xf32> to vector<198x256xf32>
    %dot_general3A_173 = arith.constant dense<0.000000e+00> : vector<1x256xf32>
    %dot_general3A_174 = tpu.matmul %slice3A_167, %get3A_172, %dot_general3A_173 {dimension_numbers = #tpu.dot_dimension_numbers<[1], [0], [0], [1], [0, 0, 1, 1], [], []>, precision = #tpu.contract_precision<fp32>, transpose_lhs_hint = false} : vector<1x198xf32>, vector<198x256xf32>, vector<1x256xf32> -> vector<1x256xf32>
    %swap3A_175 = arith.constant 13 : index
    %swap3A_176 = arith.constant 0 : index
    %swap3A_177 = vector.load %arg2[%swap3A_175, %swap3A_176] : memref<20x256xf32, #tpu.memory_space<vmem>>, vector<1x256xf32>
    tpu.vector_store %arg2[%swap3A_175, %swap3A_176], %dot_general3A_174 {strides = array<i32>} : memref<20x256xf32, #tpu.memory_space<vmem>>, vector<1x256xf32>,
    %slice3A_178 = vector.extract_strided_slice %div3A_18 {offsets = [14, 0], sizes = [1, 198], strides = [1, 1]} : vector<20x256xf32> to vector<1x198xf32>
    %get3A_179 = arith.constant 14 : index
    %get3A_180 = arith.constant 0 : index
    %get3A_181 = arith.constant 0 : index
    %get3A_182 = vector.load %arg1[%get3A_179, %get3A_180, %get3A_181] : memref<20x198x256xf32, #tpu.memory_space<vmem>>, vector<1x198x256xf32>
    %get3A_183 = vector.shape_cast %get3A_182 : vector<1x198x256xf32> to vector<198x256xf32>
    %dot_general3A_184 = arith.constant dense<0.000000e+00> : vector<1x256xf32>
    %dot_general3A_185 = tpu.matmul %slice3A_178, %get3A_183, %dot_general3A_184 {dimension_numbers = #tpu.dot_dimension_numbers<[1], [0], [0], [1], [0, 0, 1, 1], [], []>, precision = #tpu.contract_precision<fp32>, transpose_lhs_hint = false} : vector<1x198xf32>, vector<198x256xf32>, vector<1x256xf32> -> vector<1x256xf32>
    %swap3A_186 = arith.constant 14 : index
    %swap3A_187 = arith.constant 0 : index
    %swap3A_188 = vector.load %arg2[%swap3A_186, %swap3A_187] : memref<20x256xf32, #tpu.memory_space<vmem>>, vector<1x256xf32>
    tpu.vector_store %arg2[%swap3A_186, %swap3A_187], %dot_general3A_185 {strides = array<i32>} : memref<20x256xf32, #tpu.memory_space<vmem>>, vector<1x256xf32>,
    %slice3A_189 = vector.extract_strided_slice %div3A_18 {offsets = [15, 0], sizes = [1, 198], strides = [1, 1]} : vector<20x256xf32> to vector<1x198xf32>
    %get3A_190 = arith.constant 15 : index
    %get3A_191 = arith.constant 0 : index
    %get3A_192 = arith.constant 0 : index
    %get3A_193 = vector.load %arg1[%get3A_190, %get3A_191, %get3A_192] : memref<20x198x256xf32, #tpu.memory_space<vmem>>, vector<1x198x256xf32>
    %get3A_194 = vector.shape_cast %get3A_193 : vector<1x198x256xf32> to vector<198x256xf32>
    %dot_general3A_195 = arith.constant dense<0.000000e+00> : vector<1x256xf32>
    %dot_general3A_196 = tpu.matmul %slice3A_189, %get3A_194, %dot_general3A_195 {dimension_numbers = #tpu.dot_dimension_numbers<[1], [0], [0], [1], [0, 0, 1, 1], [], []>, precision = #tpu.contract_precision<fp32>, transpose_lhs_hint = false} : vector<1x198xf32>, vector<198x256xf32>, vector<1x256xf32> -> vector<1x256xf32>
    %swap3A_197 = arith.constant 15 : index
    %swap3A_198 = arith.constant 0 : index
    %swap3A_199 = vector.load %arg2[%swap3A_197, %swap3A_198] : memref<20x256xf32, #tpu.memory_space<vmem>>, vector<1x256xf32>
    tpu.vector_store %arg2[%swap3A_197, %swap3A_198], %dot_general3A_196 {strides = array<i32>} : memref<20x256xf32, #tpu.memory_space<vmem>>, vector<1x256xf32>,
    %slice3A_200 = vector.extract_strided_slice %div3A_18 {offsets = [16, 0], sizes = [1, 198], strides = [1, 1]} : vector<20x256xf32> to vector<1x198xf32>
    %get3A_201 = arith.constant 16 : index
    %get3A_202 = arith.constant 0 : index
    %get3A_203 = arith.constant 0 : index
    %get3A_204 = vector.load %arg1[%get3A_201, %get3A_202, %get3A_203] : memref<20x198x256xf32, #tpu.memory_space<vmem>>, vector<1x198x256xf32>
    %get3A_205 = vector.shape_cast %get3A_204 : vector<1x198x256xf32> to vector<198x256xf32>
    %dot_general3A_206 = arith.constant dense<0.000000e+00> : vector<1x256xf32>
    %dot_general3A_207 = tpu.matmul %slice3A_200, %get3A_205, %dot_general3A_206 {dimension_numbers = #tpu.dot_dimension_numbers<[1], [0], [0], [1], [0, 0, 1, 1], [], []>, precision = #tpu.contract_precision<fp32>, transpose_lhs_hint = false} : vector<1x198xf32>, vector<198x256xf32>, vector<1x256xf32> -> vector<1x256xf32>
    %swap3A_208 = arith.constant 16 : index
    %swap3A_209 = arith.constant 0 : index
    %swap3A_210 = vector.load %arg2[%swap3A_208, %swap3A_209] : memref<20x256xf32, #tpu.memory_space<vmem>>, vector<1x256xf32>
    tpu.vector_store %arg2[%swap3A_208, %swap3A_209], %dot_general3A_207 {strides = array<i32>} : memref<20x256xf32, #tpu.memory_space<vmem>>, vector<1x256xf32>,
    %slice3A_211 = vector.extract_strided_slice %div3A_18 {offsets = [17, 0], sizes = [1, 198], strides = [1, 1]} : vector<20x256xf32> to vector<1x198xf32>
    %get3A_212 = arith.constant 17 : index
    %get3A_213 = arith.constant 0 : index
    %get3A_214 = arith.constant 0 : index
    %get3A_215 = vector.load %arg1[%get3A_212, %get3A_213, %get3A_214] : memref<20x198x256xf32, #tpu.memory_space<vmem>>, vector<1x198x256xf32>
    %get3A_216 = vector.shape_cast %get3A_215 : vector<1x198x256xf32> to vector<198x256xf32>
    %dot_general3A_217 = arith.constant dense<0.000000e+00> : vector<1x256xf32>
    %dot_general3A_218 = tpu.matmul %slice3A_211, %get3A_216, %dot_general3A_217 {dimension_numbers = #tpu.dot_dimension_numbers<[1], [0], [0], [1], [0, 0, 1, 1], [], []>, precision = #tpu.contract_precision<fp32>, transpose_lhs_hint = false} : vector<1x198xf32>, vector<198x256xf32>, vector<1x256xf32> -> vector<1x256xf32>
    %swap3A_219 = arith.constant 17 : index
    %swap3A_220 = arith.constant 0 : index
    %swap3A_221 = vector.load %arg2[%swap3A_219, %swap3A_220] : memref<20x256xf32, #tpu.memory_space<vmem>>, vector<1x256xf32>
    tpu.vector_store %arg2[%swap3A_219, %swap3A_220], %dot_general3A_218 {strides = array<i32>} : memref<20x256xf32, #tpu.memory_space<vmem>>, vector<1x256xf32>,
    %slice3A_222 = vector.extract_strided_slice %div3A_18 {offsets = [18, 0], sizes = [1, 198], strides = [1, 1]} : vector<20x256xf32> to vector<1x198xf32>
    %get3A_223 = arith.constant 18 : index
    %get3A_224 = arith.constant 0 : index
    %get3A_225 = arith.constant 0 : index
    %get3A_226 = vector.load %arg1[%get3A_223, %get3A_224, %get3A_225] : memref<20x198x256xf32, #tpu.memory_space<vmem>>, vector<1x198x256xf32>
    %get3A_227 = vector.shape_cast %get3A_226 : vector<1x198x256xf32> to vector<198x256xf32>
    %dot_general3A_228 = arith.constant dense<0.000000e+00> : vector<1x256xf32>
    %dot_general3A_229 = tpu.matmul %slice3A_222, %get3A_227, %dot_general3A_228 {dimension_numbers = #tpu.dot_dimension_numbers<[1], [0], [0], [1], [0, 0, 1, 1], [], []>, precision = #tpu.contract_precision<fp32>, transpose_lhs_hint = false} : vector<1x198xf32>, vector<198x256xf32>, vector<1x256xf32> -> vector<1x256xf32>
    %swap3A_230 = arith.constant 18 : index
    %swap3A_231 = arith.constant 0 : index
    %swap3A_232 = vector.load %arg2[%swap3A_230, %swap3A_231] : memref<20x256xf32, #tpu.memory_space<vmem>>, vector<1x256xf32>
    tpu.vector_store %arg2[%swap3A_230, %swap3A_231], %dot_general3A_229 {strides = array<i32>} : memref<20x256xf32, #tpu.memory_space<vmem>>, vector<1x256xf32>,
    %slice3A_233 = vector.extract_strided_slice %div3A_18 {offsets = [19, 0], sizes = [1, 198], strides = [1, 1]} : vector<20x256xf32> to vector<1x198xf32>
    %get3A_234 = arith.constant 19 : index
    %get3A_235 = arith.constant 0 : index
    %get3A_236 = arith.constant 0 : index
    %get3A_237 = vector.load %arg1[%get3A_234, %get3A_235, %get3A_236] : memref<20x198x256xf32, #tpu.memory_space<vmem>>, vector<1x198x256xf32>
    %get3A_238 = vector.shape_cast %get3A_237 : vector<1x198x256xf32> to vector<198x256xf32>
    %dot_general3A_239 = arith.constant dense<0.000000e+00> : vector<1x256xf32>
    %dot_general3A_240 = tpu.matmul %slice3A_233, %get3A_238, %dot_general3A_239 {dimension_numbers = #tpu.dot_dimension_numbers<[1], [0], [0], [1], [0, 0, 1, 1], [], []>, precision = #tpu.contract_precision<fp32>, transpose_lhs_hint = false} : vector<1x198xf32>, vector<198x256xf32>, vector<1x256xf32> -> vector<1x256xf32>
    %swap3A_241 = arith.constant 19 : index
    %swap3A_242 = arith.constant 0 : index
    %swap3A_243 = vector.load %arg2[%swap3A_241, %swap3A_242] : memref<20x256xf32, #tpu.memory_space<vmem>>, vector<1x256xf32>
    tpu.vector_store %arg2[%swap3A_241, %swap3A_242], %dot_general3A_240 {strides = array<i32>} : memref<20x256xf32, #tpu.memory_space<vmem>>, vector<1x256xf32>,
    return
  }
}

</mosaic_0001>

<sc_bundles>
// kernel: kernel.5.cloned.1.call-start
scs
__scs_entry_jumppad:
0x0: {  	(pc) =	sbr.rel $0x88, $3  }
0x1: {  	(tag) =	ssettag $0x0;
	lr =	simm.s32 $0x1  }
0x2: {  	[smem:$0x3F96] =	sst lr;
	_ =	strace $0xD0000000  }
0x3: {  	_ = 	snop  }
0x4: {  	_ = 	snop  }
0x5: {  	_ = 	snop  }
0x6: {  	_ = 	snop  }
0x7: {  	_ = 	snop  }
__scs_overlays_trampoline_lowered:
0x8: {  	[smem:$0x3FA5] =	sst s0  }
0x9: {  	[smem:$0x3FA6] =	sst s1  }
0xa: {  	[smem:$0x3FA7] =	sst s2  }
0xb: {  	[smem:$0x3FA8] =	sst s3  }
0xc: {  	[smem:$0x3FA9] =	sst s4  }
0xd: {  	[smem:$0x3FAA] =	sst s5  }
0xe: {  	[smem:$0x3FAB] =	sst s6  }
0xf: {  	[smem:$0x3FAC] =	sst s7  }
0x10: {  	[smem:$0x3FAD] =	sst s8  }
0x11: {  	[smem:$0x3FAE] =	sst s9;
	s0 =	simm.s32 @!p0 $0x0  }
0x12: {  	s1 =	sld [smem:$0x3F94];
	s0 =	simm.s32 @p0 $0x1  }
0x13: {  	[smem:$0x3FAF] =	sst s0;
	s0 =	simm.s32 @!p1 $0x0  }
0x14: {  	s2 =	sld [smem:$0x3F93];
	s0 =	simm.s32 @p1 $0x1  }
0x15: {  	[smem:$0x3FB0] =	sst s0;
	s0 =	simm.s32 @!p2 $0x0  }
0x16: {  	s3 =	sld [smem:$0x3FDB];
	s0 =	simm.s32 @p2 $0x1  }
0x17: {  	s4 =	simm.s32 $0x1BF5;
	[smem:$0x3FB2] =	sst s0  }
0x18: {  	s0 =	sld [smem:$0x3F95];
	_ =	swait.ge [sflag:s4], $0x0  }
0x19: {  	s7 =	sld [smem:$0x3F96]  }
0x1a: {  	s8 =	sadd.s32 $0xFFFFE003, lr  }
0x1b: {  	s9 =	sadd.s32 $0xFFFFFEF7, lr;
	s5 =	simm.s32 $0xFFFFFFFF;
	p2 =	slt.u32 s8, $0xFFFFF086  }
0x1c: {  	p1 =	slt.u32 s9, $0xF7A;
	s5 =	simm.s32 @!p2 $0x0  }
0x1d: {  	s5 =	simm.s32 @p1 $0x1;
	p0 =	seq.s32 s7, s2  }
0x1e: {  	s7 =	smul.u32 @!p0 $0xF7A, s2;
	p2 =	seq.s32 @!p0 s5, $0x0  }
0x1f: {  	s9 =	smul.u32 $0xF7A, s1;
	s8 =	simm.s32 @!p0 $0x1BF5;
	p2 =	por !p2, p0  }
0x20: {  	[sflag:s8] =	ssyncset.s32 @!p0 $0xFFFFF086;
	s6 =	sadd.s32 @!p0 s3, s7;
	s7 =	simm.s32 @!p0 $0x108  }
0x21: {  	s3 =	sadd.s32 s3, s9;
	s6 =	sadd.s32 @!p0 $0x88, s6;
	s7 =	simm.s32 @p2 $0x1082  }
0x22: {  	[simem:s7], [sflag:s8] =	dma.local @!p0 [hbm:s6], $0xF7A  }
0x23: {  	s9 =	sor.u32 $0xD0000000, s2;
	s6 =	simm.s32 $0x108;
	_ =	swait.ge @!p0 [sflag:s8], $0x0  }
0x24: {  	s3 =	sadd.s32 $0x88, s3;
	s6 =	simm.s32 @!p1 $0x1082;
	[sflag:s4] =	ssyncset.s32 $0xFFFFF086  }
0x25: {  	[simem:s6], [sflag:s4] =	dma.local [hbm:s3], $0xF7A  }
0x26: {  	[smem:$0x3F96] =	sst s1;
	(tag) =	ssettag s2;
	_ =	strace s9  }
0x27: {  	s1 =	sld [smem:$0x3FA6]  }
0x28: {  	s2 =	sld [smem:$0x3FA7]  }
0x29: {  	s4 =	sld [smem:$0x3FA9]  }
0x2a: {  	p0 =	seq.s32 s5, $0x0;
	s5 =	sld [smem:$0x3FAA]  }
0x2b: {  	s6 =	sld [smem:$0x3FAB]  }
0x2c: {  	s7 =	sld [smem:$0x3FAC]  }
0x2d: {  	s3 =	simm.s32 $0x108;
	s8 =	sld [smem:$0x3FAD]  }
0x2e: {  	s3 =	simm.s32 @!p0 $0x1082;
	s9 =	sld [smem:$0x3FAE]  }
0x2f: {  	lr =	sadd.s32 s0, s3;
	s0 =	sld [smem:$0x3FA5]  }
0x30: {  	s3 =	sld [smem:$0x3FA8]  }
0x31: {  	[smem:$0x3FB1] =	sst s10  }
0x32: {  	s10 =	sld [smem:$0x3FAF];
	_ =	sdelay $0x3  }
0x33: {  	p0 =	seq.s32 s10, $0x1;
	s10 =	sld [smem:$0x3FB1];
	_ =	sdelay $0x3  }
0x34: {  	[smem:$0x3FB1] =	sst s10  }
0x35: {  	s10 =	sld [smem:$0x3FB0];
	_ =	sdelay $0x3  }
0x36: {  	p1 =	seq.s32 s10, $0x1;
	s10 =	sld [smem:$0x3FB1];
	_ =	sdelay $0x3  }
0x37: {  	[smem:$0x3FB1] =	sst s10  }
0x38: {  	s10 =	sld [smem:$0x3FB2]  }
0x39: {  	_ = 	snop;
	(pc) =	sbr.ind lr, $3  }
0x3a: {  	_ = 	snop  }
0x3b: {  	_ = 	snop  }
0x3c: {  	p2 =	seq.s32 s10, $0x1;
	s10 =	sld [smem:$0x3FB1]  }
0x3d: {  	_ =	shalt  }
0x3e: {  	_ =	shalt  }
0x3f: {  	_ =	shalt  }
0x40: {  	_ =	shalt  }
0x41: {  	_ =	shalt  }
0x42: {  	_ =	shalt  }
0x43: {  	_ =	shalt  }
0x44: {  	_ =	shalt  }
0x45: {  	_ =	shalt  }
0x46: {  	_ =	shalt  }
0x47: {  	_ =	shalt  }
0x48: {  	_ =	shalt  }
0x49: {  	_ =	shalt  }
0x4a: {  	_ =	shalt  }
0x4b: {  	_ =	shalt  }
0x4c: {  	_ =	shalt  }
0x4d: {  	_ =	shalt  }
0x4e: {  	_ =	shalt  }
0x4f: {  	_ =	shalt  }
0x50: {  	_ =	shalt  }
0x51: {  	_ =	shalt  }
0x52: {  	_ =	shalt  }
0x53: {  	_ =	shalt  }
0x54: {  	_ =	shalt  }
0x55: {  	_ =	shalt  }
0x56: {  	_ =	shalt  }
0x57: {  	_ =	shalt  }
0x58: {  	_ =	shalt  }
0x59: {  	_ =	shalt  }
0x5a: {  	_ =	shalt  }
0x5b: {  	_ =	shalt  }
0x5c: {  	_ =	shalt  }
0x5d: {  	_ =	shalt  }
0x5e: {  	_ =	shalt  }
0x5f: {  	_ =	shalt  }
0x60: {  	_ =	shalt  }
0x61: {  	_ =	shalt  }
0x62: {  	_ =	shalt  }
0x63: {  	_ =	shalt  }
0x64: {  	_ =	shalt  }
0x65: {  	_ =	shalt  }
0x66: {  	_ =	shalt  }
0x67: {  	_ =	shalt  }
0x68: {  	_ =	shalt  }
0x69: {  	_ =	shalt  }
0x6a: {  	_ =	shalt  }
0x6b: {  	_ =	shalt  }
0x6c: {  	_ =	shalt  }
0x6d: {  	_ =	shalt  }
0x6e: {  	_ =	shalt  }
0x6f: {  	_ =	shalt  }
0x70: {  	_ =	shalt  }
0x71: {  	_ =	shalt  }
0x72: {  	_ =	shalt  }
0x73: {  	_ =	shalt  }
0x74: {  	_ =	shalt  }
0x75: {  	_ =	shalt  }
0x76: {  	_ =	shalt  }
0x77: {  	_ =	shalt  }
0x78: {  	_ =	shalt  }
0x79: {  	_ =	shalt  }
0x7a: {  	_ =	shalt  }
0x7b: {  	_ =	shalt  }
0x7c: {  	_ =	shalt  }
0x7d: {  	_ =	shalt  }
0x7e: {  	_ =	shalt  }
0x7f: {  	_ =	shalt  }
0x80: {  	_ =	shalt  }
0x81: {  	_ =	shalt  }
0x82: {  	_ =	shalt  }
0x83: {  	_ =	shalt  }
0x84: {  	_ =	shalt  }
0x85: {  	_ =	shalt  }
0x86: {  	_ =	shalt  }
0x87: {  	_ =	shalt  }
.Lfunc_end0:
.L_simem_size_0:
called_computation_lowered:
.L_overlay_start_0:
0x88: {  	s2 =	sld [smem:$0x3FD9]  }
0x89: {  	s3 =	sld [smem:$0x3FFE];
	_ =	sdelay $0x1  }
0x8a: {  	s1 =	srdreg.scid  }
0x8b: {  	s0 =	sand.u32 $0x1, s1  }
0x8c: {  	s14 =	sshll.u32 s0, $0xA;
	s2 =	sadd.s32 s3, s2  }
0x8d: {  	s2 =	sadd.s32 s2, s14  }
0x8e: {  	[smem:$0x3FBD] =	sst s2  }
0x8f: {  	_ = 	snop  }
0x90: {  	s2 =	sld [smem:$0x3FD0];
	_ =	sdelay $0x2  }
0x91: {  	s15 =	simm.s32 $0xA;
	s4 =	simm.s32 $0x10  }
0x92: {  	[smem:s4], [sflag:s15] =	dma.local [hbm:s2], $0x1  }
0x93: {  	_ =	swait.eq [sflag:s15], $0x1  }
0x94: {  	[sflag:s15] =	ssyncset.done $0x0  }
0x95: {  	[sflag:s15] =	ssyncadd.s32 $0xFFFFFFFF  }
0x96: {  	s16 =	sld [smem:$0x10];
	(tm) =	ssettm $0x1  }
0x97: {  	s17 =	sld [smem:$0x3FFB];
	_ =	sdelay $0x3  }
0x98: {  	_ =	strace s17  }
0x99: {  	s3 =	sld [smem:$0x3FFC];
	_ =	sdelay $0x3  }
0x9a: {  	_ =	strace s3  }
0x9b: {  	s3 =	sld [smem:$0x3FFD];
	_ =	sdelay $0x3  }
0x9c: {  	_ =	strace s3  }
0x9d: {  	_ =	strace $0x8FFFFFFF  }
0x9e: {  	s18 =	sld [smem:$0x3FDB];
	_ =	sdelay $0x1  }
0x9f: {  	s19 =	simm.s32 $_scs_section_size  }
0xa0: {  	s5 =	simm.s32 $_size__tile_overlayer_lowered;
	s6 =	simm.s32 $_tile_overlayer_lowered  }
0xa1: {  	s22 =	simm.s32 $0x1BFF;
	s21 =	sshll.u32 s6, $0x1;
	s3 =	sadd.s32 s19, s18  }
0xa2: {  	s7 =	simm.s32 $0x0;
	s20 =	sshll.u32 s5, $0x1;
	s5 =	sadd.s32 s21, s3  }
0xa3: {  	[timem:s7], [sflag:s22] =	dma.local [hbm:s5], s20  }
0xa4: {  	_ =	swait.ge [sflag:s22], s20  }
0xa5: {  	s4 =	ssub.s32 $0x0, s20;
	[sflag:s22] =	ssyncset.done $0x0  }
0xa6: {  	[sflag:s22] =	ssyncadd.s32 s4;
	_ =	sdelay $0x1  }
0xa7: {  	s23 =	simm.s32 $0x1B8B  }
0xa8: {  	_ =	swait.ge [sflag:s23], $0x1  }
0xa9: {  	[sflag:s23] =	ssyncset.done $0x0  }
0xaa: {  	s25 =	simm.s32 $0x1B8E;
	s24 =	sld [smem:$0x3FFE];
	[sflag:s23] =	ssyncadd.s32 $0xFFFFFFFF  }
0xab: {  	s26 =	simm.s32 $execute0_lowered;
	[smem:$0x3FD2] =	sst s25  }
0xac: {  	s5 =	sshll.u32 s26, $0x1;
	_ =	strace $0x80000046;
	[dreg:$0x1] =	wrdreg $0xFFFFFFFF  }
0xad: {  	s28 =	simm.s32 $_size_execute0_lowered;
	s3 =	sadd.s32 s3, s5;
	[dreg:$0x0] =	wrdreg $0x0  }
0xae: {  	s5 =	sshll.u32 s28, $0x1;
	[dreg:$0x2] =	wrdreg s3  }
0xaf: {  	[dreg:$0x3] =	wrdreg s5  }
0xb0: {  	[dreg:$0x4] =	wrdreg $0xC0  }
0xb1: {  	_ =	task [dreg:s7], $0x5FFFF  }
0xb2: {  	[dreg:$0x1] =	wrdreg $0xFFFFFFFF  }
0xb3: {  	[dreg:$0x0] =	wrdreg $0x60  }
0xb4: {  	[dreg:$0x2] =	wrdreg s16  }
0xb5: {  	[dreg:$0x3] =	wrdreg s24  }
0xb6: {  	[dreg:$0x4] =	wrdreg $0x9  }
0xb7: {  	_ =	task.clear_ibuf [dreg:s7], $0x5FFFF;
	_ =	strace $0x90000046  }
0xb8: {  	s29 =	simm.s32 $0x9;
	_ =	strace $0x80000048  }
0xb9: {  	_ =	swait.ge [sflag:s29], $0x1  }
0xba: {  	[sflag:s29] =	ssyncadd.s32 $0xFFFFFFFF  }
0xbb: {  	_ =	strace $0x90000048  }
0xbc: {  	_ =	sfence  }
0xbd: {  	s30 =	sld [smem:$0x0];
	_ =	sdelay $0x2  }
0xbe: {  	s31 =	sshll.u32 s1, $0xD;
	s1 =	sshrl.u32 s1, $0x2  }
0xbf: {  	s3 =	sand.u32 $0x4000, s31;
	s1 =	sadd.s32 s1, s30  }
0xc0: {  	s0 =	sor.u32 s3, s0;
	s1 =	sshll.u32 s1, $0x11  }
0xc1: {  	s0 =	sor.u32 s1, s0  }
0xc2: {  	s0 =	sadd.s32 $0x8F2B, s0  }
0xc3: {  	[sflag:s0] =	ssyncadd.remote.s32 $0x1  }
0xc4: {  	_ =	sfence.sel $0xFFFF  }
0xc5: {  	[dreg:$0x0] =	wrdreg $0xFFFFFFFF;
	(pc) =	sbr.abs _section_cstart, $3  }
0xc6: {  	[dreg:$0x1] =	wrdreg $0xFFFFFFFF  }
0xc7: {  	_ =	task.clear_ibuf [dreg:s7], $0x2FFFF;
	_ =	strace $0x9FFFFFFF  }
0xc8: {  	(tm) =	ssettm $0x7FFFFFFF  }
0xc9: {  	_ =	shalt  }
tec
execute0_lowered:
.L_overlay_start_1:
0x0: {  	(tag) =	ssettag $0x1  }
0x1: {  	s1 =	stileid.u32  }
0x2: {  	p0 =	sgt.u32 s1, $0x9  }
.Ltmp0:
0x3: {  	_ = 	snop;
	(pc) =	sbr.rel @p0 .LBB2_5-.Ltmp0, $4  }
0x4: {  	s4 =	rddreg [dreg:$0x0]  }
0x5: {  	s3 =	rddreg [dreg:$0x1];
	s2 =	simm.s32 $0x0  }
0x6: {  	[smem:$0x7FF] =	sst s2  }
0x7: {  	s0 =	rddreg [dreg:$0x2];
	_ =	strace $0x80000047  }
0x8: {  	s5 =	srdreg.scid;
	s6 =	sshll.u32 s1, $0x5;
	s7 =	sshll.u32 s1, $0x6  }
0x9: {  	s9 =	simm.s32 $0x200;
	s10 =	simm.s32 $0x0;
	s5 =	sand.u32 $0x1, s5  }
0xa: {  	s6 =	sand.u32 $0x60, s6;
	s8 =	sshll.u32 s5, $0x4;
	s5 =	ssub.s32 $0x2, s5  }
0xb: {  	s7 =	sand.u32 $0x300, s7;
	s6 =	sor.u32 s8, s6;
	s31 =	sshrl.u32 s5, $0x1  }
0xc: {  	s8 =	simm.s32 $0x1;
	s6 =	sor.u32 s7, s6;
	s5 =	ssub.s32 s5, s31  }
0xd: {  	s7 =	simm.s32 $0x400;
	s3 =	sadd.s32 s6, s3;
	s4 =	sadd.s32 s4, s6  }
0xe: {  	v0 =	vimm.s32 $0x1;
	v1 =	vimm.s32 $0x0;
	s5 =	smax.u32 s5, $0x1;
	s6 =	simm.s32 $0x80;
	s3 =	sadd.s32 $0x1A00, s3  }
.LBB2_2:
0xf: {  	[tilespmem:s2], [sflag:$0x1] =	stream.strided.gather [hbm4b:s4+s6], $0x100, s7, s6, $0x38;
	[tilespmem:$0x300] =	vst v63  }
0x10: {  	_ =	swait.ge [sflag:s8], $0x100  }
0x11: {  	[sflag:s8] =	ssyncset.done $0x0  }
0x12: {  	[sflag:s8] =	ssyncadd.s32 $0xFFFFFF00  }
0x13: {  	v2 =	vld [tilespmem:$0x0]  }
0x14: {  	v3 =	vld [tilespmem:$0x10]  }
0x15: {  	v4 =	vld [tilespmem:$0x20]  }
0x16: {  	v5 =	vld [tilespmem:$0x30];
	_ =	sdelay $0x1  }
0x17: {  	v6 =	vld [tilespmem:$0x40];
	vm0 =	vlt.s32 v2, $0x0;
	v7 =	vxor.u32 $0x7FFFFFFF, v2  }
0x18: {  	v8 =	vld [tilespmem:$0x50];
	v2 =	vsel vm0, v7, v2;
	vm0 =	vlt.s32 v3, $0x0;
	v7 =	vxor.u32 $0x7FFFFFFF, v3  }
0x19: {  	v9 =	vld [tilespmem:$0x60];
	v21 =	vsel vm0, v7, v3;
	vm0 =	vlt.s32 v4, $0x0;
	v3 =	vxor.u32 $0x7FFFFFFF, v4  }
0x1a: {  	v7 =	vld [tilespmem:$0x70];
	v22 =	vsel vm0, v3, v4;
	vm0 =	vlt.s32 v5, $0x0;
	v3 =	vxor.u32 $0x7FFFFFFF, v5  }
0x1b: {  	v16 =	vxor.u32 $0x80000000, v2;
	v4 =	vld [tilespmem:$0x80];
	v13 =	vxor.u32 $0x80000000, v21;
	v23 =	vsel vm0, v3, v5  }
0x1c: {  	vm0 =	vlt.s32 v6, $0x0;
	v3 =	vxor.u32 $0x7FFFFFFF, v6;
	v5 =	vld [tilespmem:$0x90];
	v12 =	vxor.u32 $0x80000000, v22  }
0x1d: {  	v24 =	vsel vm0, v3, v6;
	vm0 =	vlt.s32 v8, $0x0;
	v3 =	vxor.u32 $0x7FFFFFFF, v8;
	v6 =	vld [tilespmem:$0xA0]  }
0x1e: {  	v25 =	vsel vm0, v3, v8;
	vm0 =	vlt.s32 v9, $0x0;
	v3 =	vxor.u32 $0x7FFFFFFF, v9;
	v8 =	vld [tilespmem:$0xB0]  }
0x1f: {  	v26 =	vsel vm0, v3, v9;
	vm0 =	vlt.s32 v7, $0x0;
	v3 =	vxor.u32 $0x7FFFFFFF, v7  }
0x20: {  	v9 =	vld [tilespmem:$0xC0];
	v27 =	vsel vm0, v3, v7;
	vm0 =	vlt.s32 v4, $0x0;
	v3 =	vxor.u32 $0x7FFFFFFF, v4  }
0x21: {  	v7 =	vld [tilespmem:$0xD0];
	v28 =	vsel vm0, v3, v4;
	vm0 =	vlt.s32 v5, $0x0;
	v3 =	vxor.u32 $0x7FFFFFFF, v5  }
0x22: {  	v29 =	vsel vm0, v3, v5;
	vm0 =	vlt.s32 v6, $0x0;
	v3 =	vxor.u32 $0x7FFFFFFF, v6  }
0x23: {  	v4 =	vld [tilespmem:$0xE0];
	v30 =	vsel vm0, v3, v6;
	vm0 =	vlt.s32 v8, $0x0;
	v3 =	vxor.u32 $0x7FFFFFFF, v8  }
0x24: {  	v14 =	vxor.u32 $0x80000000, v26;
	v5 =	vld [tilespmem:$0xF0];
	v6 =	vxor.u32 $0x80000000, v27;
	v31 =	vsel vm0, v3, v8  }
0x25: {  	vm0 =	vlt.s32 v9, $0x0;
	v3 =	vxor.u32 $0x7FFFFFFF, v9;
	v8 =	vxor.u32 $0x80000000, v24  }
0x26: {  	v11 =	vxor.u32 $0x80000000, v30;
	v32 =	vsel vm0, v3, v9;
	vm0 =	vlt.s32 v7, $0x0  }
0x27: {  	v3 =	vxor.u32 $0x7FFFFFFF, v7;
	v9 =	vxor.u32 $0x80000000, v23;
	v10 =	vxor.u32 $0x80000000, v31  }
0x28: {  	v33 =	vsel vm0, v3, v7;
	vm0 =	vlt.s32 v4, $0x0;
	v3 =	vxor.u32 $0x7FFFFFFF, v4  }
0x29: {  	s11 =	simm.s32 $0x1F;
	v34 =	vsel vm0, v3, v4;
	vm0 =	vlt.s32 v5, $0x0;
	v3 =	vxor.u32 $0x7FFFFFFF, v5  }
0x2a: {  	v7 =	vxor.u32 $0x80000000, v25;
	v35 =	vsel vm0, v3, v5;
	v3 =	vshll.u32 v0, s11  }
0x2b: {  	[tilespmem:$0x110] =	vst v21;
	v17 =	vxor.u32 $0x80000000, v32;
	v4 =	vxor.u32 $0x80000000, v29;
	v3 =	vbroadcast v3, $0x0  }
0x2c: {  	[tilespmem:$0x120] =	vst v22;
	v15 =	vxor.u32 $0x80000000, v33;
	v5 =	vxor.u32 $0x80000000, v28;
	v18 =	vxor.u32 $0x80000000, v34  }
0x2d: {  	[tilespmem:$0x140] =	vst v24;
	v19 =	vxor.u32 $0x80000000, v35;
	v20 =	vor.u32 v1, v3;
	v3 =	vimm.s32 $0x64  }
0x2e: {  	[tilespmem:$0x160] =	vst v26;
	v36 =	vand.u32 v12, v20;
	v62 =	vand.u32 v13, v20;
	v21 =	vand.u32 v16, v20  }
0x2f: {  	[tilespmem:$0x170] =	vst v27;
	v63 =	vand.u32 v19, v20;
	v22 =	vand.u32 v14, v20;
	v24 =	vand.u32 v9, v20  }
0x30: {  	[tilespmem:$0x180] =	vst v28;
	v37 =	vand.u32 v17, v20;
	v38 =	vand.u32 v18, v20;
	v26 =	vand.u32 v7, v20  }
0x31: {  	[tilespmem:$0x190] =	vst v29;
	v27 =	vand.u32 v15, v20;
	v28 =	vand.u32 v10, v20;
	v29 =	vand.u32 v6, v20  }
0x32: {  	vm0 =	veq.s32 v36, v20;
	vm1 =	veq.s32 v62, v20;
	vm2 =	veq.s32 v21, v20  }
0x33: {  	s12 =	simm.s32 $0x1E;
	v21 =	vand.u32 v5, v20;
	vm3 =	veq.s32 v22, v20;
	vm4 =	veq.s32 v27, v20  }
0x34: {  	[tilespmem:$0x130] =	vst v23;
	v27 =	vshll.u32 v0, s12;
	v22 =	vmpcnt.ones.xlane vm1;
	v23 =	vmpcnt.ones.xlane vm2  }
0x35: {  	vm1 =	veq.s32 v21, v20;
	v21 =	vand.u32 v8, v20;
	vm2 =	veq.s32 v24, v20  }
0x36: {  	v24 =	vmpcnt.ones.xlane vm0;
	v22 =	vadd.s32 v23, v22;
	v23 =	vand.u32 v4, v20  }
0x37: {  	[tilespmem:$0x1A0] =	vst v30;
	v30 =	vmpcnt.ones.xlane vm3;
	vm3 =	veq.s32 v29, v20;
	vm0 =	veq.s32 v23, v20  }
0x38: {  	[tilespmem:$0x100] =	vst v2;
	v23 =	vmpcnt.ones.xlane vm2;
	v22 =	vadd.s32 v24, v22;
	v24 =	vand.u32 v11, v20  }
0x39: {  	[tilespmem:$0x150] =	vst v25;
	vm2 =	veq.s32 v24, v20;
	v24 =	vmpcnt.ones.xlane vm1;
	vm1 =	veq.s32 v21, v20  }
0x3a: {  	[tilespmem:$0x1B0] =	vst v31;
	v25 =	vmpcnt.ones.xlane vm0;
	vm0 =	veq.s32 v26, v20;
	v21 =	vmpcnt.ones.xlane vm1  }
0x3b: {  	[tilespmem:$0x1C0] =	vst v32;
	v22 =	vadd.s32 v23, v22;
	v23 =	vmpcnt.ones.xlane vm2;
	v26 =	vmpcnt.ones.xlane vm0  }
0x3c: {  	[tilespmem:$0x1D0] =	vst v33;
	vm1 =	veq.s32 v28, v20;
	vm2 =	veq.s32 v37, v20;
	v21 =	vadd.s32 v21, v22  }
0x3d: {  	[tilespmem:$0x1E0] =	vst v34;
	vm0 =	veq.s32 v38, v20;
	v21 =	vadd.s32 v26, v21;
	v26 =	vmpcnt.ones.xlane vm3  }
0x3e: {  	s11 =	simm.s32 $0x1D;
	[tilespmem:$0x1F0] =	vst v35;
	vm3 =	veq.s32 v63, v20;
	v22 =	vmovc v20;
	v28 =	vadd.s32 v30, v21;
	v21 =	vimm.s32 $0x0  }
.LBB2_3:
0x3f: {  	p0 =	sne.s32 s11, $0x0;
	v27 =	vbroadcast v27, $0x0;
	v26 =	vadd.s32 v26, v28;
	v28 =	vmpcnt.ones.xlane vm4;
	s12 =	smov.u32 s11;
	s11 =	sadd.s32 $0xFFFFFFFF, s11  }
0x40: {  	v29 =	vmpcnt.ones.xlane vm3;
	v24 =	vadd.s32 v24, v26;
	v26 =	vmpcnt.ones.xlane vm2  }
0x41: {  	v20 =	vor.u32 v20, v27;
	v24 =	vadd.s32 v25, v24;
	v25 =	vmpcnt.ones.xlane vm1  }
0x42: {  	v30 =	vand.u32 v16, v20;
	v31 =	vand.u32 v13, v20;
	v23 =	vadd.s32 v23, v24  }
0x43: {  	v24 =	vand.u32 v12, v20;
	v32 =	vand.u32 v19, v20;
	v23 =	vadd.s32 v25, v23  }
0x44: {  	v25 =	vand.u32 v14, v20;
	v23 =	vadd.s32 v26, v23;
	v26 =	vmpcnt.ones.xlane vm0  }
0x45: {  	v33 =	vand.u32 v9, v20;
	v34 =	vand.u32 v8, v20;
	v23 =	vadd.s32 v28, v23  }
0x46: {  	v35 =	vand.u32 v18, v20;
	v28 =	vand.u32 v17, v20;
	v23 =	vadd.s32 v26, v23  }
0x47: {  	v36 =	vand.u32 v15, v20;
	v26 =	vand.u32 v7, v20;
	v23 =	vadd.s32 v29, v23  }
0x48: {  	v37 =	vand.u32 v10, v20;
	v29 =	vand.u32 v11, v20;
	vm0 =	vlt.s32 v23, v3  }
0x49: {  	v38 =	vand.u32 v6, v20;
	v21 =	vsel vm0, v21, v22;
	v23 =	vnsel vm0, $0x0, v23  }
0x4a: {  	v22 =	vor.u32 v21, v27;
	v27 =	vand.u32 v5, v20;
	v3 =	vsub.s32 v3, v23  }
0x4b: {  	vm0 =	veq.s32 v24, v22;
	vm1 =	veq.s32 v25, v22;
	vm2 =	veq.s32 v27, v22  }
0x4c: {  	v23 =	vand.u32 v4, v20;
	vm3 =	veq.s32 v31, v22;
	v31 =	vmpcnt.ones.xlane vm1  }
0x4d: {  	vm4 =	veq.s32 v23, v22;
	vm5 =	veq.s32 v29, v22;
	vm1 =	veq.s32 v30, v22  }
0x4e: {  	v27 =	vmpcnt.ones.xlane vm3;
	vm3 =	veq.s32 v33, v22;
	v24 =	vmpcnt.ones.xlane vm2  }
0x4f: {  	v25 =	vmpcnt.ones.xlane vm4;
	v29 =	vmpcnt.ones.xlane vm1;
	vm1 =	veq.s32 v34, v22  }
0x50: {  	v30 =	vmpcnt.ones.xlane vm0;
	vm0 =	veq.s32 v26, v22;
	v23 =	vmpcnt.ones.xlane vm5  }
0x51: {  	v26 =	vadd.s32 v29, v27;
	v27 =	vmpcnt.ones.xlane vm3;
	vm3 =	veq.s32 v38, v22  }
.Ltmp1:
0x52: {  	v29 =	vmpcnt.ones.xlane vm1;
	vm1 =	veq.s32 v37, v22;
	v26 =	vadd.s32 v30, v26;
	(pc) =	sbr.rel @p0 .LBB2_3-.Ltmp1, $4  }
0x53: {  	vm2 =	veq.s32 v28, v22;
	v26 =	vadd.s32 v27, v26;
	v27 =	vmpcnt.ones.xlane vm0  }
0x54: {  	vm4 =	veq.s32 v36, v22;
	vm0 =	veq.s32 v35, v22;
	v26 =	vadd.s32 v29, v26  }
0x55: {  	v28 =	vadd.s32 v27, v26;
	v26 =	vmpcnt.ones.xlane vm3;
	vm3 =	veq.s32 v32, v22  }
0x56: {  	v27 =	vshll.u32 v0, s12;
	v28 =	vadd.s32 v31, v28  }
0x57: {  	v26 =	vadd.s32 v26, v28  }
0x58: {  	v27 =	vbroadcast v27, $0x0;
	v24 =	vadd.s32 v24, v26  }
0x59: {  	v48 =	vmpcnt.ones.xlane vm4;
	v49 =	vmpcnt.ones.xlane vm1;
	v24 =	vadd.s32 v25, v24  }
0x5a: {  	v50 =	vmpcnt.ones.xlane vm2;
	v51 =	vmpcnt.ones.xlane vm3;
	v23 =	vadd.s32 v23, v24  }
0x5b: {  	v52 =	vmpcnt.ones.xlane vm0;
	v20 =	vor.u32 v20, v27;
	v23 =	vadd.s32 v49, v23  }
0x5c: {  	v16 =	vand.u32 v16, v20;
	v13 =	vand.u32 v13, v20;
	v23 =	vadd.s32 v50, v23  }
0x5d: {  	v12 =	vand.u32 v12, v20;
	v19 =	vand.u32 v19, v20;
	v23 =	vadd.s32 v48, v23  }
0x5e: {  	v14 =	vand.u32 v14, v20;
	v9 =	vand.u32 v9, v20;
	v23 =	vadd.s32 v52, v23  }
0x5f: {  	v8 =	vand.u32 v8, v20;
	v17 =	vand.u32 v17, v20;
	v23 =	vadd.s32 v51, v23  }
0x60: {  	v18 =	vand.u32 v18, v20;
	v7 =	vand.u32 v7, v20;
	vm0 =	vlt.s32 v23, v3  }
0x61: {  	v15 =	vand.u32 v15, v20;
	v11 =	vand.u32 v11, v20;
	v21 =	vsel vm0, v21, v22  }
0x62: {  	v10 =	vand.u32 v10, v20;
	v6 =	vand.u32 v6, v20;
	v22 =	vor.u32 v21, v27  }
0x63: {  	v5 =	vand.u32 v5, v20;
	vm8 =	veq.s32 v13, v22;
	vm9 =	veq.s32 v16, v22  }
0x64: {  	vm10 =	veq.s32 v12, v22;
	v53 =	vmpcnt.ones.xlane vm8;
	v54 =	vmpcnt.ones.xlane vm9  }
0x65: {  	vm11 =	veq.s32 v14, v22;
	vm12 =	veq.s32 v9, v22;
	v55 =	vmpcnt.ones.xlane vm10  }
0x66: {  	vm13 =	veq.s32 v8, v22;
	v57 =	vmpcnt.ones.xlane vm12;
	v56 =	vadd.s32 v54, v53  }
0x67: {  	vm14 =	veq.s32 v7, v22;
	v59 =	vmpcnt.ones.xlane vm13;
	v58 =	vadd.s32 v55, v56  }
0x68: {  	vm15 =	veq.s32 v5, v22;
	v61 =	vmpcnt.ones.xlane vm14;
	v60 =	vadd.s32 v57, v58  }
0x69: {  	vm6 =	veq.s32 v6, v22;
	v62 =	vmpcnt.ones.xlane vm11;
	v5 =	vadd.s32 v59, v60  }
0x6a: {  	v4 =	vand.u32 v4, v20;
	v6 =	vmpcnt.ones.xlane vm6;
	v5 =	vadd.s32 v61, v5  }
0x6b: {  	vm7 =	veq.s32 v4, v22;
	v63 =	vmpcnt.ones.xlane vm15;
	v5 =	vadd.s32 v62, v5  }
0x6c: {  	vm8 =	veq.s32 v11, v22;
	v11 =	vmpcnt.ones.xlane vm7;
	v5 =	vadd.s32 v6, v5  }
0x6d: {  	vm9 =	veq.s32 v10, v22;
	v12 =	vmpcnt.ones.xlane vm8;
	v4 =	vadd.s32 v63, v5  }
0x6e: {  	vm10 =	veq.s32 v17, v22;
	v13 =	vmpcnt.ones.xlane vm9;
	v4 =	vadd.s32 v11, v4  }
0x6f: {  	vm11 =	veq.s32 v15, v22;
	v14 =	vmpcnt.ones.xlane vm10;
	v4 =	vadd.s32 v12, v4  }
0x70: {  	vm12 =	veq.s32 v18, v22;
	v15 =	vmpcnt.ones.xlane vm11;
	v4 =	vadd.s32 v13, v4  }
0x71: {  	vm13 =	veq.s32 v19, v22;
	v16 =	vmpcnt.ones.xlane vm12;
	v4 =	vadd.s32 v14, v4  }
0x72: {  	v17 =	vmpcnt.ones.xlane vm13;
	v4 =	vadd.s32 v15, v4  }
0x73: {  	v18 =	vnsel vm0, $0x0, v23;
	v4 =	vadd.s32 v16, v4  }
0x74: {  	v19 =	vsub.s32 v3, v18;
	v4 =	vadd.s32 v17, v4  }
0x75: {  	v20 =	vld [tilespmem:$0x110];
	vm14 =	vlt.s32 v4, v19  }
0x76: {  	v3 =	vsel vm14, v21, v22  }
0x77: {  	v3 =	vxor.u32 $0x80000000, v3  }
0x78: {  	v24 =	vld [tilespmem:$0x130];
	vm15 =	veq.s32 v2, v3  }
0x79: {  	v23 =	vld [tilespmem:$0x120];
	v21 =	vsel vm15, $0x1, v1  }
0x7a: {  	vm8 =	veq.s32 v20, v3;
	(xrf0) =	vadd.scan.msk.s32 $0xffff, v21  }
0x7b: {  	v25 =	vld [tilespmem:$0x140];
	v22 =	vsel vm8, $0x1, v1  }
0x7c: {  	(xrf0) =	vadd.scan.msk.s32 $0xffff, v22  }
0x7d: {  	v4 =	vnsel vm14, $0x0, v4  }
0x7e: {  	v4 =	vsub.s32 v19, v4;
	vm9 =	veq.s32 v23, v3;
	vm10 =	veq.s32 v24, v3  }
0x7f: {  	v27 =	vmpcnt.ones.xlane vm15;
	v28 =	vsel vm9, $0x1, v1;
	v34 =	vmpcnt.ones.xlane vm8  }
0x80: {  	vm5 =	vgt.s32 v2, v3;
	vm13 =	veq.s32 v25, v3;
	v36 =	vmpcnt.ones.xlane vm9;
	v26, _, _ =	vpop (xrf0);
	(xrf0) =	vadd.scan.msk.s32 $0xffff, v28  }
0x81: {  	v29 =	vld [tilespmem:$0x0];
	v31 =	vsel vm10, $0x1, v1;
	v45 =	vmpcnt.ones.xlane vm10;
	v38 =	vadd.s32 v27, v34  }
0x82: {  	v33 =	vld [tilespmem:$0x150];
	v35 =	vsel vm13, $0x1, v1;
	v52 =	vmpcnt.ones.xlane vm13;
	v10 =	vadd.s32 v38, v36;
	v30, _, _ =	vpop (xrf0);
	(xrf0) =	vadd.scan.msk.s32 $0xffff, v31  }
0x83: {  	v32 =	vld [tilespmem:$0x10];
	vm14 =	vgt.s32 v20, v3;
	v47 =	vadd.s32 v10, v45;
	vm11 =	vle.s32 v26, v4;
	(xrf0) =	vadd.scan.msk.s32 $0xffff, v35  }
0x84: {  	v7 =	vadd.s32 v47, v52;
	v13 =	vadd.s32 v27, v30;
	vm2 =	vmand vm15, vm11  }
0x85: {  	v51 =	vld [tilespmem:$0x180];
	vm15 =	vgt.s32 v23, v3;
	vm12 =	vle.s32 v13, v4;
	vm5 =	vmor vm5, vm2  }
0x86: {  	v37 =	vld [tilespmem:$0x160];
	vm11 =	vgt.s32 v24, v3;
	vm4 =	vmand vm8, vm12;
	v2 =	vnsel vm5, $0x0, v29;
	v39, _, _ =	vpop (xrf0)  }
0x87: {  	vm3 =	vmor vm14, vm4;
	vm4 =	veq.s32 v33, v3;
	v8 =	vadd.s32 v38, v39  }
0x88: {  	v40 =	vld [tilespmem:$0x20];
	v5 =	vnsel vm3, $0x0, v32;
	v43 =	vsel vm4, $0x1, v1;
	v41, _, _ =	vpop (xrf0);
	vm8 =	vle.s32 v8, v4  }
0x89: {  	v44 =	vld [tilespmem:$0x170];
	v57 =	vmpcnt.ones.xlane vm4;
	v42 =	vadd.s32 v10, v41;
	v49, _, _ =	vpop (xrf0);
	vm1 =	vmand vm9, vm8  }
0x8a: {  	(xrf0) =	vadd.scan.msk.s32 $0xffff, v43;
	vm9 =	vle.s32 v42, v4;
	v10 =	vadd.s32 v47, v49;
	vm8 =	veq.s32 v51, v3  }
0x8b: {  	v46 =	vld [tilespmem:$0x30];
	vm1 =	vmor vm15, vm1;
	vm0 =	vmand vm10, vm9;
	vm10 =	veq.s32 v37, v3  }
0x8c: {  	v54 =	vld [tilespmem:$0x190];
	vm12 =	vle.s32 v10, v4;
	vm15 =	vgt.s32 v33, v3;
	v50 =	vsel vm10, $0x1, v1  }
0x8d: {  	v48 =	vld [tilespmem:$0x40];
	v61 =	vsel vm8, $0x1, v1;
	v29 =	vmpcnt.ones.xlane vm8;
	v11 =	vnsel vm1, $0x0, v40;
	(xrf0) =	vadd.scan.msk.s32 $0xffff, v50  }
0x8e: {  	vm0 =	vmor vm11, vm0;
	vm1 =	veq.s32 v44, v3;
	vm2 =	vmand vm13, vm12  }
0x8f: {  	v58 =	vld [tilespmem:$0x50];
	vm13 =	vgt.s32 v25, v3;
	v62 =	vmpcnt.ones.xlane vm10;
	v53 =	vsel vm1, $0x1, v1  }
0x90: {  	v63 =	vld [tilespmem:$0x1A0];
	vm12 =	vgt.s32 v44, v3;
	v13 =	vnsel vm0, $0x0, v46;
	vm14 =	vmor vm13, vm2;
	v55, _, _ =	vpop (xrf0);
	(xrf0) =	vadd.scan.msk.s32 $0xffff, v53  }
0x91: {  	vm0 =	veq.s32 v54, v3;
	v25 =	vmpcnt.ones.xlane vm1;
	v56 =	vadd.s32 v7, v55  }
0x92: {  	v8 =	vnsel vm14, $0x0, v48;
	v21 =	vsel vm0, $0x1, v1;
	vm7 =	vle.s32 v56, v4  }
0x93: {  	vm14 =	vgt.s32 v51, v3;
	v7 =	vadd.s32 v7, v57;
	vm4 =	vmand vm4, vm7;
	v60, _, _ =	vpop (xrf0);
	(xrf0) =	vadd.scan.msk.s32 $0xffff, v61  }
0x94: {  	v59 =	vld [tilespmem:$0x60];
	v36 =	vmpcnt.ones.xlane vm0;
	v22 =	vadd.s32 v7, v62;
	vm4 =	vmor vm15, vm4  }
0x95: {  	v24 =	vld [tilespmem:$0x1B0];
	v17 =	vnsel vm4, $0x0, v58;
	vm4 =	veq.s32 v63, v3;
	v10 =	vadd.s32 v7, v60  }
0x96: {  	v35 =	vld [tilespmem:$0x1D0];
	v6 =	vadd.s32 v22, v25;
	v23, _, _ =	vpop (xrf0);
	v30 =	vsel vm4, $0x1, v1;
	vm9 =	vle.s32 v10, v4  }
0x97: {  	v26 =	vld [tilespmem:$0x70];
	(xrf0) =	vadd.scan.msk.s32 $0xffff, v21;
	v7 =	vadd.s32 v22, v23;
	vm3 =	vmand vm10, vm9;
	vm10 =	vgt.s32 v37, v3  }
0x98: {  	v31 =	vld [tilespmem:$0x1C0];
	v38 =	vmpcnt.ones.xlane vm4;
	vm11 =	vle.s32 v7, v4;
	vm3 =	vmor vm10, vm3  }
0x99: {  	v27 =	vld [tilespmem:$0x80];
	vm1 =	vmand vm1, vm11;
	vm10 =	vgt.s32 v63, v3;
	v9 =	vnsel vm3, $0x0, v59;
	v28, _, _ =	vpop (xrf0)  }
0x9a: {  	vm3 =	vmor vm12, vm1;
	vm1 =	veq.s32 v24, v3;
	(xrf0) =	vadd.scan.msk.s32 $0xffff, v30;
	v14 =	vadd.s32 v6, v28  }
0x9b: {  	v42 =	vld [tilespmem:$0x1F0];
	vm12 =	veq.s32 v35, v3;
	v33 =	vsel vm1, $0x1, v1;
	vm13 =	vle.s32 v14, v4  }
0x9c: {  	[tilespmem:$0x200] =	vst v2;
	v40 =	vld [tilespmem:$0x1E0];
	v18 =	vnsel vm3, $0x0, v26;
	v45 =	vsel vm12, $0x1, v1;
	vm2 =	vmand vm8, vm13  }
0x9d: {  	v2 =	vmpcnt.ones.xlane vm1;
	v57 =	vmpcnt.ones.xlane vm12;
	v32, _, _ =	vpop (xrf0);
	(xrf0) =	vadd.scan.msk.s32 $0xffff, v33;
	vm2 =	vmor vm14, vm2  }
0x9e: {  	v6 =	vadd.s32 v6, v29;
	v7 =	vnsel vm2, $0x0, v27;
	vm2 =	veq.s32 v31, v3  }
0x9f: {  	v34 =	vld [tilespmem:$0x90];
	v14 =	vadd.s32 v6, v32;
	v6 =	vadd.s32 v6, v36;
	v39 =	vsel vm2, $0x1, v1  }
0xa0: {  	vm15 =	vle.s32 v14, v4;
	vm8 =	vgt.s32 v54, v3;
	vm13 =	vgt.s32 v24, v3;
	v37, _, _ =	vpop (xrf0);
	(xrf0) =	vadd.scan.msk.s32 $0xffff, v39  }
0xa1: {  	[tilespmem:$0x210] =	vst v5;
	vm3 =	vmand vm0, vm15;
	vm15 =	veq.s32 v40, v3;
	vm0 =	veq.s32 v42, v3  }
0xa2: {  	[tilespmem:$0x220] =	vst v11;
	vm9 =	vmor vm8, vm3;
	v47 =	vsel vm15, $0x1, v1;
	v50 =	vsel vm0, $0x1, v1  }
0xa3: {  	v44 =	vld [tilespmem:$0xA0];
	v58 =	vmpcnt.ones.xlane vm15;
	v41 =	vadd.s32 v6, v37;
	v6 =	vadd.s32 v6, v38;
	v43, _, _ =	vpop (xrf0);
	(xrf0) =	vadd.scan.msk.s32 $0xffff, v45  }
0xa4: {  	v46 =	vld [tilespmem:$0xB0];
	v15 =	vnsel vm9, $0x0, v34;
	v51 =	vmpcnt.ones.xlane vm2;
	v12 =	vadd.s32 v6, v43;
	(xrf0) =	vadd.scan.msk.s32 $0xffff, v47  }
0xa5: {  	[tilespmem:$0x230] =	vst v13;
	vm9 =	vgt.s32 v31, v3;
	vm11 =	vle.s32 v41, v4;
	vm14 =	vle.s32 v12, v4  }
0xa6: {  	v2 =	vadd.s32 v6, v2;
	vm4 =	vmand vm4, vm11;
	vm5 =	vmand vm1, vm14;
	v49, _, _ =	vpop (xrf0);
	(xrf0) =	vadd.scan.msk.s32 $0xffff, v50  }
0xa7: {  	v48 =	vld [tilespmem:$0xC0];
	[tilespmem:$0x240] =	vst v8;
	vm11 =	vgt.s32 v35, v3;
	vm4 =	vmor vm10, vm4;
	vm5 =	vmor vm13, vm5  }
0xa8: {  	[tilespmem:$0x250] =	vst v17;
	v52 =	vnsel vm4, $0x0, v44;
	vm13 =	vgt.s32 v40, v3;
	v10 =	vadd.s32 v2, v49  }
0xa9: {  	[tilespmem:$0x260] =	vst v9;
	v53 =	vnsel vm5, $0x0, v46;
	v54, _, _ =	vpop (xrf0);
	v2 =	vadd.s32 v2, v51;
	vm8 =	vle.s32 v10, v4  }
0xaa: {  	v55 =	vld [tilespmem:$0xD0];
	[tilespmem:$0x270] =	vst v18;
	v56 =	vadd.s32 v2, v54;
	v59, _, _ =	vpop (xrf0);
	v2 =	vadd.s32 v2, v57;
	vm2 =	vmand vm2, vm8  }
0xab: {  	v60 =	vld [tilespmem:$0xE0];
	[tilespmem:$0x280] =	vst v7;
	vm10 =	vle.s32 v56, v4;
	v10 =	vadd.s32 v2, v59;
	vm2 =	vmor vm9, vm2  }
0xac: {  	v61 =	vld [tilespmem:$0xF0];
	[tilespmem:$0x290] =	vst v15;
	v2 =	vadd.s32 v2, v58;
	v6 =	vnsel vm2, $0x0, v48;
	vm2 =	vmand vm12, vm10;
	v62, _, _ =	vpop (xrf0)  }
0xad: {  	[tilespmem:$0x2A0] =	vst v52;
	vm12 =	vle.s32 v10, v4;
	vm2 =	vmor vm11, vm2;
	v2 =	vadd.s32 v62, v2  }
0xae: {  	[tilespmem:$0x2B0] =	vst v53;
	vm1 =	vmand vm15, vm12;
	vm15 =	vgt.s32 v42, v3;
	vm14 =	vle.s32 v2, v4  }
0xaf: {  	[tilespmem:$0x2C0] =	vst v6;
	v63 =	vnsel vm2, $0x0, v55;
	vm1 =	vmor vm13, vm1;
	vm0 =	vmand vm0, vm14  }
0xb0: {  	s10 =	sadd.s32 $0x1, s10;
	[tilespmem:$0x2D0] =	vst v63;
	v2 =	vnsel vm1, $0x0, v60;
	vm0 =	vmor vm15, vm0  }
0xb1: {  	p0 =	sne.s32 s10, s5;
	[tilespmem:$0x2E0] =	vst v2;
	v2 =	vnsel vm0, $0x0, v61  }
.Ltmp2:
0xb2: {  	[tilespmem:$0x2F0] =	vst v2;
	(pc) =	sbr.rel @p0 .LBB2_2-.Ltmp2, $4  }
0xb3: {  	[hbm4b:s3+s6] =	stream.strided.scatter [tilespmem:s9], [sflag:$0x1], $0x100, s7, s6, $0x38;
	[tilespmem:$0x300] =	vst v63  }
0xb4: {  	_ =	swait.ge [sflag:s8], $0x100  }
0xb5: {  	[sflag:s8] =	ssyncset.done $0x0  }
0xb6: {  	[sflag:s8] =	ssyncadd.s32 $0xFFFFFF00  }
.LBB2_5:
0xb7: {  	_ =	sfence.sel $0x180000  }
0xb8: {  	[bflag:$0x0] =	sbarrier.arrive $0xFFFF  }
0xb9: {  	p0 =	sne.s32 s1, $0x0;
	_ =	strace $0x90000047  }
0xba: {  	s0 =	sadd.s32 @!p0 $0x100000, s0;
	[bflag:$0x2] =	sbarrier.arrive $0xFFFF  }
0xbb: {  	[sflag:s0] =	ssyncadd.tile.s32 @!p0 $0x1;
	_ =	shalt  }
.Lfunc_end2:
_tile_overlayer_lowered:
.L_overlay_start_2:
0xbc: {  	(tag) =	ssettag $0x2  }
0xbd: {  	s0 =	rddreg [dreg:$0x0];
	s2 =	stileid.u32  }
0xbe: {  	s1 =	rddreg [dreg:$0x1];
	p0 =	sne.s32 s2, $0x0  }
0xbf: {  	s3 =	rddreg [dreg:$0x2];
	[bflag:$0x3] =	sbarrier.arrive $0xFFFF;
	s2 =	simm.s32 @!p0 $0x1C01  }
0xc0: {  	[timem:s3], [sflag:s2] =	dma.local @!p0 [hbm:s0], s1  }
0xc1: {  	s0 =	simm.s32 @!p0 $0x1  }
0xc2: {  	_ =	swait.ge @!p0 [sflag:s0], s1  }
0xc3: {  	s1 =	ssub.s32 @!p0 $0x0, s1;
	[sflag:s0] =	ssyncset.done @!p0 $0x0  }
0xc4: {  	[sflag:s0] =	ssyncadd.s32 @!p0 s1  }
0xc5: {  	[bflag:$0x3] =	sbarrier.arrive $0xFFFF  }
0xc6: {  	_ =	shalt  }

</sc_bundles>
